<compile_context>
chip_gen: v7x
topology: tpu7x:2x2x1
jax: 0.10.2.dev20260603
libtpu: 0.0.44.dev20260713+nightly
codegen_flags: <defaults>
</compile_context>

<pallas_src>
import functools

import jax
import jax.numpy as jnp
from jax import lax
from jax.experimental import pallas as pl
from jax.experimental.pallas import tpu as pltpu
from jax.experimental.pallas import tpu_sc as plsc

NC = 2
NS = 16
NW = NC * NS
CHUNK = 128


def _scatter_pallas(hp, srcp, dstp, n, n_pad, n_chunks, d):
    rpt = n_pad // NS
    mesh = plsc.VectorSubcoreMesh(
        core_axis_name="c", subcore_axis_name="s",
        num_cores=NC, num_subcores=NS)

    @functools.partial(
        pl.kernel,
        out_type=jax.ShapeDtypeStruct((NC * n_pad, d), jnp.float32),
        mesh=mesh,
        scratch_types=[
            pltpu.VMEM_SHARED((n_pad, d), jnp.float32),
            pltpu.VMEM((CHUNK, d), jnp.float32),
            pltpu.VMEM((CHUNK,), jnp.int32),
            pltpu.VMEM((CHUNK,), jnp.int32),
            pltpu.SemaphoreType.DMA,
        ],
    )
    def k(hp_hbm, src_hbm, dst_hbm, out_hbm, acc, rows, sidx, didx, sem):
        cid = lax.axis_index("c")
        sid = lax.axis_index("s")
        w = cid * NS + sid

        def z(t, c):
            i = t // (d // 16)
            j = t % (d // 16)
            rows[i, pl.ds(j * 16, 16)] = jnp.zeros((16,), jnp.float32)
            return c
        lax.fori_loop(0, CHUNK * (d // 16), z, 0)
        for t in range(rpt // CHUNK):
            pltpu.sync_copy(rows,
                            acc.at[pl.ds(sid * rpt + t * CHUNK, CHUNK)])
        plsc.subcore_barrier()

        def body(j, c):
            base = (w * n_chunks + j) * CHUNK
            pltpu.sync_copy(src_hbm.at[pl.ds(base, CHUNK)], sidx)
            pltpu.sync_copy(dst_hbm.at[pl.ds(base, CHUNK)], didx)
            pltpu.async_copy(hp_hbm.at[sidx], rows, sem).wait()
            pltpu.sync_copy(rows, acc.at[didx], add=True)
            return c
        lax.fori_loop(0, n_chunks, body, 0)
        plsc.subcore_barrier()

        out_base = cid * n_pad + sid * rpt
        pltpu.sync_copy(acc.at[pl.ds(sid * rpt, rpt)],
                        out_hbm.at[pl.ds(out_base, rpt)])

    return k(hp, srcp, dstp)


def _mm_scale_body(x_ref, w_ref, da_ref, db_ref, hp_ref):
    dinv = lax.rsqrt(da_ref[:, 0:1] + db_ref[:, 0:1] + 1.0)
    h = jnp.dot(x_ref[...], w_ref[...], preferred_element_type=jnp.float32)
    hp_ref[...] = h * dinv


def _mid_body(p0_ref, p1_ref, hp_ref, da_ref, db_ref, b_ref, w2_ref,
              h1_ref, h2p_ref):
    dinv = lax.rsqrt(da_ref[:, 0:1] + db_ref[:, 0:1] + 1.0)
    h1 = jnp.tanh((p0_ref[...] + p1_ref[...] + hp_ref[...]) * dinv + b_ref[...])
    h1_ref[...] = h1
    h = jnp.dot(h1, w2_ref[...], preferred_element_type=jnp.float32)
    h2p_ref[...] = h * dinv


def _final_body(p0_ref, p1_ref, hp_ref, da_ref, db_ref, b_ref, h2_ref):
    dinv = lax.rsqrt(da_ref[:, 0:1] + db_ref[:, 0:1] + 1.0)
    h2_ref[...] = (p0_ref[...] + p1_ref[...] + hp_ref[...]) * dinv + b_ref[...]


def kernel(x, edge_index, W1, b1, W2, b2):
    n, d = x.shape
    e = edge_index.shape[1]
    n_chunks = -(-e // (NW * CHUNK))
    e_pad = NW * CHUNK * n_chunks
    n_pad = -(-(n + 1) // (NS * CHUNK)) * (NS * CHUNK)
    br = 1000
    grid = (n // br,)

    src = edge_index[0]
    dst = edge_index[1]
    pad = e_pad - e
    srcp = jnp.concatenate([src, jnp.zeros((pad,), edge_index.dtype)])
    dstp = jnp.concatenate([dst, jnp.full((pad,), n, edge_index.dtype)])

    ones_rows = jnp.ones((n, d), jnp.float32)
    deg_parts = _scatter_pallas(ones_rows, srcp, dstp, n, n_pad, n_chunks, d)
    da = deg_parts[:n]
    db = deg_parts[n_pad:n_pad + n]

    row_spec = pl.BlockSpec((br, d), lambda i: (i, 0))
    deg_spec = pl.BlockSpec((br, d), lambda i: (i, 0))
    w_spec = pl.BlockSpec((d, d), lambda i: (0, 0))
    b_spec = pl.BlockSpec((1, d), lambda i: (0, 0))
    row_shape = jax.ShapeDtypeStruct((n, d), jnp.float32)

    h1p = pl.pallas_call(
        _mm_scale_body,
        grid=grid,
        in_specs=[row_spec, w_spec, deg_spec, deg_spec],
        out_specs=row_spec,
        out_shape=row_shape,
    )(x, W1, da, db)

    parts1 = _scatter_pallas(h1p, srcp, dstp, n, n_pad, n_chunks, d)

    h1, h2p = pl.pallas_call(
        _mid_body,
        grid=grid,
        in_specs=[row_spec, row_spec, row_spec, deg_spec, deg_spec,
                  b_spec, w_spec],
        out_specs=[row_spec, row_spec],
        out_shape=[row_shape, row_shape],
    )(parts1[:n], parts1[n_pad:n_pad + n], h1p, da, db, b1.reshape(1, d), W2)

    parts2 = _scatter_pallas(h2p, srcp, dstp, n, n_pad, n_chunks, d)

    h2 = pl.pallas_call(
        _final_body,
        grid=grid,
        in_specs=[row_spec, row_spec, row_spec, deg_spec, deg_spec, b_spec],
        out_specs=row_spec,
        out_shape=row_shape,
    )(parts2[:n], parts2[n_pad:n_pad + n], h2p, da, db, b2.reshape(1, d))

    return (h1, h2)

# --- scband reference (transcript-rebuilt; emitter-appended) ---
"""Pipeline reference for scband-s-mugcn-51032801411522 (READ-ONLY COPY).

The authoritative reference and input builder live on the scoring server;
editing this copy changes nothing except your own understanding.
"""

import jax, jax.numpy as jnp
import numpy as np

N = 10000
E = 320000
D_IN = 128
D_OUT = 128


def _gcn_conv(x, edge_index, W, b):
    n = x.shape[0]
    loops = jnp.arange(n, dtype=edge_index.dtype)
    src = jnp.concatenate([edge_index[0], loops])
    dst = jnp.concatenate([edge_index[1], loops])
    deg = jnp.zeros((n,), dtype=jnp.float32).at[dst].add(1.0)
    dinv = jnp.where(deg > 0, deg ** -0.5, 0.0)
    norm = dinv[src] * dinv[dst]
    h = x @ W
    msg = h[src] * norm[:, None]
    out = jnp.zeros((n, h.shape[1]), dtype=h.dtype).at[dst].add(msg)
    return out + b


def setup_inputs(seed: int = 0):
    key = jax.random.key(seed)
    k1, k2, k3, k4, k5, k6 = jax.random.split(key, 6)
    x = jax.random.normal(k1, (N, D_IN), dtype=jnp.float32)
    edge_index = jax.random.randint(k2, (2, E), 0, N, dtype=jnp.int32)
    W1 = jax.random.normal(k3, (D_IN, D_OUT), dtype=jnp.float32) * (1.0 / np.sqrt(D_IN))
    b1 = jnp.zeros((D_OUT,), dtype=jnp.float32)
    W2 = jax.random.normal(k4, (D_OUT, D_OUT), dtype=jnp.float32) * (1.0 / np.sqrt(D_OUT))
    b2 = jnp.zeros((D_OUT,), dtype=jnp.float32)
    return {"x": x, "edge_index": edge_index, "W1": W1, "b1": b1, "W2": W2, "b2": b2}


def reference(x, edge_index, W1, b1, W2, b2):
    # layer 0: conv + tanh (applied since i < num_layers - 1)
    h1 = jnp.tanh(_gcn_conv(x, edge_index, W1, b1))
    # layer 1: conv (no activation, last layer)
    h2 = _gcn_conv(h1, edge_index, W2, b2)
    # S_MUGCN returns the list of per-layer outputs
    return (h1, h2)

if __name__ == "__main__":
    import jax
    _d = setup_inputs()
    print(jax.jit(kernel)(*tuple(_d.values())))

</pallas_src>

<mosaic_0001>
#map = affine_map<(d0, d1) -> (0, 0)>
#map1 = affine_map<(d0, d1) -> (0)>
module attributes {stable_mosaic.version = 14 : i64} {
  func.func @k(%arg0: i32, %arg1: i32, %arg2: memref<10000x128xf32, #tpu.memory_space<hbm>>, %arg3: memref<323584xi32, #tpu.memory_space<hbm>>, %arg4: memref<323584xi32, #tpu.memory_space<hbm>>, %arg5: memref<20480x128xf32, #tpu.memory_space<hbm>>, %arg6: memref<10240x128xf32, #tpu.memory_space<vmem_shared>>, %arg7: memref<128x128xf32, #tpu.memory_space<vmem>>, %arg8: memref<128xi32, #tpu.memory_space<vmem>>, %arg9: memref<128xi32, #tpu.memory_space<vmem>>, %arg10: memref<!tpu.dma_semaphore, #tpu.memory_space<semaphore_mem>>) attributes {dimension_semantics = [#tpu.dimension_semantics<core_parallel>, #tpu.dimension_semantics<subcore_parallel>], iteration_bounds = array<i64: 2, 16>, scalar_prefetch = 0 : i64, scratch_operands = 5 : i64, tpu.core_type = #tpu.core_type<sc_vector_subcore>, window_params = [{transform_indices = #map}, {transform_indices = #map1}, {transform_indices = #map1}, {transform_indices = #map}]} {
    %mul3A = arith.constant 16 : i32
    %mul3A_0 = arith.muli %arg0, %mul3A : i32
    %add3A = arith.addi %mul3A_0, %arg1 : i32
    %scan3A = arith.constant 0 : i32
    %scan3A_1 = arith.constant 0 : i32
    %scan3A_2 = arith.constant 1024 : i32
    %scan3A_3 = arith.addi %scan3A_1, %scan3A_2 : i32
    %scan3A_4 = arith.constant 1 : i32
    scf.for %scan3A_40 = %scan3A_1 to %scan3A_3 step %scan3A_4  : i32 {
      %jit3A = arith.constant 8 : i32
      %div3A = arith.divsi %scan3A_40, %jit3A : i32
      %sign3A = arith.constant 0 : i32
      %sign3A_41 = arith.cmpi sgt, %scan3A_40, %sign3A : i32
      %sign3A_42 = arith.extui %sign3A_41 : i1 to i32
      %sign3A_43 = arith.constant 0 : i32
      %sign3A_44 = arith.cmpi slt, %scan3A_40, %sign3A_43 : i32
      %sign3A_45 = arith.extui %sign3A_44 : i1 to i32
      %sign3A_46 = arith.subi %sign3A_42, %sign3A_45 : i32
      %sign3A_47 = arith.constant 0 : i32
      %sign3A_48 = arith.cmpi sgt, %jit3A, %sign3A_47 : i32
      %sign3A_49 = arith.extui %sign3A_48 : i1 to i32
      %sign3A_50 = arith.constant 0 : i32
      %sign3A_51 = arith.cmpi slt, %jit3A, %sign3A_50 : i32
      %sign3A_52 = arith.extui %sign3A_51 : i1 to i32
      %sign3A_53 = arith.subi %sign3A_49, %sign3A_52 : i32
      %ne3A = arith.cmpi ne, %sign3A_46, %sign3A_53 : i32
      %rem3A = arith.remsi %scan3A_40, %jit3A : i32
      %ne3A_54 = arith.constant 0 : i32
      %ne3A_55 = arith.cmpi ne, %rem3A, %ne3A_54 : i32
      %and3A = arith.andi %ne3A, %ne3A_55 : i1
      %sub3A = arith.constant 1 : i32
      %sub3A_56 = arith.subi %div3A, %sub3A : i32
      %select_n3A = arith.select %and3A, %sub3A_56, %div3A : i32
      %jit3A_57 = arith.constant 8 : i32
      %eq3A = arith.constant 0 : i32
      %eq3A_58 = arith.cmpi eq, %jit3A_57, %eq3A : i32
      %jit3A_59 = arith.constant 1 : i32
      %select_n3A_60 = arith.select %eq3A_58, %jit3A_59, %jit3A_57 : i32
      %rem3A_61 = arith.remsi %scan3A_40, %select_n3A_60 : i32
      %ne3A_62 = arith.constant 0 : i32
      %ne3A_63 = arith.cmpi ne, %rem3A_61, %ne3A_62 : i32
      %lt3A = arith.constant 0 : i32
      %lt3A_64 = arith.cmpi slt, %rem3A_61, %lt3A : i32
      %lt3A_65 = arith.constant 0 : i32
      %lt3A_66 = arith.cmpi slt, %select_n3A_60, %lt3A_65 : i32
      %ne3A_67 = arith.xori %lt3A_64, %lt3A_66 : i1
      %and3A_68 = arith.andi %ne3A_67, %ne3A_63 : i1
      %add3A_69 = arith.addi %rem3A_61, %select_n3A_60 : i32
      %select_n3A_70 = arith.select %and3A_68, %add3A_69, %rem3A_61 : i32
      %broadcast_in_dim3A = arith.constant 0.000000e+00 : f32
      %broadcast_in_dim3A_71 = vector.broadcast %broadcast_in_dim3A : f32 to vector<16xf32>
      %mul3A_72 = arith.constant 16 : i32
      %mul3A_73 = arith.muli %select_n3A_70, %mul3A_72 : i32
      %swap3A = arith.index_cast %select_n3A : i32 to index
      %swap3A_74 = arith.index_cast %mul3A_73 : i32 to index
      %swap3A_75 = tpu.vector_load %arg7[%swap3A, %swap3A_74] {strides = array<i32>} : memref<128x128xf32, #tpu.memory_space<vmem>>, vector<1x16xf32>,
      %swap3A_76 = vector.shape_cast %swap3A_75 : vector<1x16xf32> to vector<16xf32>
      %swap3A_77 = vector.shape_cast %broadcast_in_dim3A_71 : vector<16xf32> to vector<1x16xf32>
      tpu.vector_store %arg7[%swap3A, %swap3A_74], %swap3A_77 {strides = array<i32>} : memref<128x128xf32, #tpu.memory_space<vmem>>, vector<1x16xf32>,
    }
    %scan3A_5 = arith.constant 1024 : i32
    %mul3A_6 = arith.constant 640 : i32
    %mul3A_7 = arith.muli %arg1, %mul3A_6 : i32
    %add3A_8 = arith.constant 0 : i32
    %add3A_9 = arith.addi %mul3A_7, %add3A_8 : i32
    "tpu.region"() ({
      %run_scoped3A = tpu.sem_alloc : memref<!tpu.dma_semaphore, #tpu.memory_space<semaphore_mem>>
      %dma_start3A = arith.constant 0 : i32
      %dma_start3A_40 = tpu.memref_slice %arg6[%add3A_9, %dma_start3A] : memref<10240x128xf32, #tpu.memory_space<vmem_shared>> -> memref<128x128xf32, #tpu.memory_space<vmem_shared>>
      %dma_start3A_41 = arith.constant 0 : i32
      %dma_start3A_42 = tpu.memref_slice %arg6[%add3A_9, %dma_start3A_41] : memref<10240x128xf32, #tpu.memory_space<vmem_shared>> -> memref<128x128xf32, #tpu.memory_space<vmem_shared>>
      tpu.enqueue_dma source(%arg7 : memref<128x128xf32, #tpu.memory_space<vmem>>) target(%dma_start3A_42 : memref<128x128xf32, #tpu.memory_space<vmem_shared>>) target_semaphore(%run_scoped3A : memref<!tpu.dma_semaphore, #tpu.memory_space<semaphore_mem>>)
      %dma_wait3A = arith.constant 0 : i32
      %dma_wait3A_43 = tpu.memref_slice %arg6[%add3A_9, %dma_wait3A] : memref<10240x128xf32, #tpu.memory_space<vmem_shared>> -> memref<128x128xf32, #tpu.memory_space<vmem_shared>>
      %dma_wait3A_44 = arith.constant 0 : i32
      %dma_wait3A_45 = tpu.memref_slice %arg6[%add3A_9, %dma_wait3A_44] : memref<10240x128xf32, #tpu.memory_space<vmem_shared>> -> memref<128x128xf32, #tpu.memory_space<vmem_shared>>
      tpu.wait_dma2 semaphore(%run_scoped3A : memref<!tpu.dma_semaphore, #tpu.memory_space<semaphore_mem>>) src(%arg7 : memref<128x128xf32, #tpu.memory_space<vmem>>) dst(%dma_wait3A_45 : memref<128x128xf32, #tpu.memory_space<vmem_shared>>)
      tpu.yield
    }) : () -> ()
    %mul3A_10 = arith.constant 640 : i32
    %mul3A_11 = arith.muli %arg1, %mul3A_10 : i32
    %add3A_12 = arith.constant 128 : i32
    %add3A_13 = arith.addi %mul3A_11, %add3A_12 : i32
    "tpu.region"() ({
      %run_scoped3A = tpu.sem_alloc : memref<!tpu.dma_semaphore, #tpu.memory_space<semaphore_mem>>
      %dma_start3A = arith.constant 0 : i32
      %dma_start3A_40 = tpu.memref_slice %arg6[%add3A_13, %dma_start3A] : memref<10240x128xf32, #tpu.memory_space<vmem_shared>> -> memref<128x128xf32, #tpu.memory_space<vmem_shared>>
      %dma_start3A_41 = arith.constant 0 : i32
      %dma_start3A_42 = tpu.memref_slice %arg6[%add3A_13, %dma_start3A_41] : memref<10240x128xf32, #tpu.memory_space<vmem_shared>> -> memref<128x128xf32, #tpu.memory_space<vmem_shared>>
      tpu.enqueue_dma source(%arg7 : memref<128x128xf32, #tpu.memory_space<vmem>>) target(%dma_start3A_42 : memref<128x128xf32, #tpu.memory_space<vmem_shared>>) target_semaphore(%run_scoped3A : memref<!tpu.dma_semaphore, #tpu.memory_space<semaphore_mem>>)
      %dma_wait3A = arith.constant 0 : i32
      %dma_wait3A_43 = tpu.memref_slice %arg6[%add3A_13, %dma_wait3A] : memref<10240x128xf32, #tpu.memory_space<vmem_shared>> -> memref<128x128xf32, #tpu.memory_space<vmem_shared>>
      %dma_wait3A_44 = arith.constant 0 : i32
      %dma_wait3A_45 = tpu.memref_slice %arg6[%add3A_13, %dma_wait3A_44] : memref<10240x128xf32, #tpu.memory_space<vmem_shared>> -> memref<128x128xf32, #tpu.memory_space<vmem_shared>>
      tpu.wait_dma2 semaphore(%run_scoped3A : memref<!tpu.dma_semaphore, #tpu.memory_space<semaphore_mem>>) src(%arg7 : memref<128x128xf32, #tpu.memory_space<vmem>>) dst(%dma_wait3A_45 : memref<128x128xf32, #tpu.memory_space<vmem_shared>>)
      tpu.yield
    }) : () -> ()
    %mul3A_14 = arith.constant 640 : i32
    %mul3A_15 = arith.muli %arg1, %mul3A_14 : i32
    %add3A_16 = arith.constant 256 : i32
    %add3A_17 = arith.addi %mul3A_15, %add3A_16 : i32
    "tpu.region"() ({
      %run_scoped3A = tpu.sem_alloc : memref<!tpu.dma_semaphore, #tpu.memory_space<semaphore_mem>>
      %dma_start3A = arith.constant 0 : i32
      %dma_start3A_40 = tpu.memref_slice %arg6[%add3A_17, %dma_start3A] : memref<10240x128xf32, #tpu.memory_space<vmem_shared>> -> memref<128x128xf32, #tpu.memory_space<vmem_shared>>
      %dma_start3A_41 = arith.constant 0 : i32
      %dma_start3A_42 = tpu.memref_slice %arg6[%add3A_17, %dma_start3A_41] : memref<10240x128xf32, #tpu.memory_space<vmem_shared>> -> memref<128x128xf32, #tpu.memory_space<vmem_shared>>
      tpu.enqueue_dma source(%arg7 : memref<128x128xf32, #tpu.memory_space<vmem>>) target(%dma_start3A_42 : memref<128x128xf32, #tpu.memory_space<vmem_shared>>) target_semaphore(%run_scoped3A : memref<!tpu.dma_semaphore, #tpu.memory_space<semaphore_mem>>)
      %dma_wait3A = arith.constant 0 : i32
      %dma_wait3A_43 = tpu.memref_slice %arg6[%add3A_17, %dma_wait3A] : memref<10240x128xf32, #tpu.memory_space<vmem_shared>> -> memref<128x128xf32, #tpu.memory_space<vmem_shared>>
      %dma_wait3A_44 = arith.constant 0 : i32
      %dma_wait3A_45 = tpu.memref_slice %arg6[%add3A_17, %dma_wait3A_44] : memref<10240x128xf32, #tpu.memory_space<vmem_shared>> -> memref<128x128xf32, #tpu.memory_space<vmem_shared>>
      tpu.wait_dma2 semaphore(%run_scoped3A : memref<!tpu.dma_semaphore, #tpu.memory_space<semaphore_mem>>) src(%arg7 : memref<128x128xf32, #tpu.memory_space<vmem>>) dst(%dma_wait3A_45 : memref<128x128xf32, #tpu.memory_space<vmem_shared>>)
      tpu.yield
    }) : () -> ()
    %mul3A_18 = arith.constant 640 : i32
    %mul3A_19 = arith.muli %arg1, %mul3A_18 : i32
    %add3A_20 = arith.constant 384 : i32
    %add3A_21 = arith.addi %mul3A_19, %add3A_20 : i32
    "tpu.region"() ({
      %run_scoped3A = tpu.sem_alloc : memref<!tpu.dma_semaphore, #tpu.memory_space<semaphore_mem>>
      %dma_start3A = arith.constant 0 : i32
      %dma_start3A_40 = tpu.memref_slice %arg6[%add3A_21, %dma_start3A] : memref<10240x128xf32, #tpu.memory_space<vmem_shared>> -> memref<128x128xf32, #tpu.memory_space<vmem_shared>>
      %dma_start3A_41 = arith.constant 0 : i32
      %dma_start3A_42 = tpu.memref_slice %arg6[%add3A_21, %dma_start3A_41] : memref<10240x128xf32, #tpu.memory_space<vmem_shared>> -> memref<128x128xf32, #tpu.memory_space<vmem_shared>>
      tpu.enqueue_dma source(%arg7 : memref<128x128xf32, #tpu.memory_space<vmem>>) target(%dma_start3A_42 : memref<128x128xf32, #tpu.memory_space<vmem_shared>>) target_semaphore(%run_scoped3A : memref<!tpu.dma_semaphore, #tpu.memory_space<semaphore_mem>>)
      %dma_wait3A = arith.constant 0 : i32
      %dma_wait3A_43 = tpu.memref_slice %arg6[%add3A_21, %dma_wait3A] : memref<10240x128xf32, #tpu.memory_space<vmem_shared>> -> memref<128x128xf32, #tpu.memory_space<vmem_shared>>
      %dma_wait3A_44 = arith.constant 0 : i32
      %dma_wait3A_45 = tpu.memref_slice %arg6[%add3A_21, %dma_wait3A_44] : memref<10240x128xf32, #tpu.memory_space<vmem_shared>> -> memref<128x128xf32, #tpu.memory_space<vmem_shared>>
      tpu.wait_dma2 semaphore(%run_scoped3A : memref<!tpu.dma_semaphore, #tpu.memory_space<semaphore_mem>>) src(%arg7 : memref<128x128xf32, #tpu.memory_space<vmem>>) dst(%dma_wait3A_45 : memref<128x128xf32, #tpu.memory_space<vmem_shared>>)
      tpu.yield
    }) : () -> ()
    %mul3A_22 = arith.constant 640 : i32
    %mul3A_23 = arith.muli %arg1, %mul3A_22 : i32
    %add3A_24 = arith.constant 512 : i32
    %add3A_25 = arith.addi %mul3A_23, %add3A_24 : i32
    "tpu.region"() ({
      %run_scoped3A = tpu.sem_alloc : memref<!tpu.dma_semaphore, #tpu.memory_space<semaphore_mem>>
      %dma_start3A = arith.constant 0 : i32
      %dma_start3A_40 = tpu.memref_slice %arg6[%add3A_25, %dma_start3A] : memref<10240x128xf32, #tpu.memory_space<vmem_shared>> -> memref<128x128xf32, #tpu.memory_space<vmem_shared>>
      %dma_start3A_41 = arith.constant 0 : i32
      %dma_start3A_42 = tpu.memref_slice %arg6[%add3A_25, %dma_start3A_41] : memref<10240x128xf32, #tpu.memory_space<vmem_shared>> -> memref<128x128xf32, #tpu.memory_space<vmem_shared>>
      tpu.enqueue_dma source(%arg7 : memref<128x128xf32, #tpu.memory_space<vmem>>) target(%dma_start3A_42 : memref<128x128xf32, #tpu.memory_space<vmem_shared>>) target_semaphore(%run_scoped3A : memref<!tpu.dma_semaphore, #tpu.memory_space<semaphore_mem>>)
      %dma_wait3A = arith.constant 0 : i32
      %dma_wait3A_43 = tpu.memref_slice %arg6[%add3A_25, %dma_wait3A] : memref<10240x128xf32, #tpu.memory_space<vmem_shared>> -> memref<128x128xf32, #tpu.memory_space<vmem_shared>>
      %dma_wait3A_44 = arith.constant 0 : i32
      %dma_wait3A_45 = tpu.memref_slice %arg6[%add3A_25, %dma_wait3A_44] : memref<10240x128xf32, #tpu.memory_space<vmem_shared>> -> memref<128x128xf32, #tpu.memory_space<vmem_shared>>
      tpu.wait_dma2 semaphore(%run_scoped3A : memref<!tpu.dma_semaphore, #tpu.memory_space<semaphore_mem>>) src(%arg7 : memref<128x128xf32, #tpu.memory_space<vmem>>) dst(%dma_wait3A_45 : memref<128x128xf32, #tpu.memory_space<vmem_shared>>)
      tpu.yield
    }) : () -> ()
    %barrier3A = arith.constant 0 : index
    tpu.barrier barrier_id(%barrier3A)
    %scan3A_26 = arith.constant 0 : i32
    %scan3A_27 = arith.constant 0 : i32
    %scan3A_28 = arith.constant 79 : i32
    %scan3A_29 = arith.addi %scan3A_27, %scan3A_28 : i32
    %scan3A_30 = arith.constant 1 : i32
    scf.for %scan3A_40 = %scan3A_27 to %scan3A_29 step %scan3A_30  : i32 {
      %mul3A_41 = arith.constant 79 : i32
      %mul3A_42 = arith.muli %add3A, %mul3A_41 : i32
      %add3A_43 = arith.addi %mul3A_42, %scan3A_40 : i32
      %mul3A_44 = arith.constant 128 : i32
      %mul3A_45 = arith.muli %add3A_43, %mul3A_44 : i32
      "tpu.region"() ({
        %run_scoped3A = tpu.sem_alloc : memref<!tpu.dma_semaphore, #tpu.memory_space<semaphore_mem>>
        %dma_start3A_50 = tpu.memref_slice %arg3[%mul3A_45] : memref<323584xi32, #tpu.memory_space<hbm>> -> memref<128xi32, #tpu.memory_space<hbm>>
        %dma_start3A_51 = tpu.memref_slice %arg3[%mul3A_45] : memref<323584xi32, #tpu.memory_space<hbm>> -> memref<128xi32, #tpu.memory_space<hbm>>
        tpu.enqueue_dma source(%dma_start3A_51 : memref<128xi32, #tpu.memory_space<hbm>>) target(%arg8 : memref<128xi32, #tpu.memory_space<vmem>>) target_semaphore(%run_scoped3A : memref<!tpu.dma_semaphore, #tpu.memory_space<semaphore_mem>>)
        %dma_wait3A_52 = tpu.memref_slice %arg3[%mul3A_45] : memref<323584xi32, #tpu.memory_space<hbm>> -> memref<128xi32, #tpu.memory_space<hbm>>
        %dma_wait3A_53 = tpu.memref_slice %arg3[%mul3A_45] : memref<323584xi32, #tpu.memory_space<hbm>> -> memref<128xi32, #tpu.memory_space<hbm>>
        tpu.wait_dma2 semaphore(%run_scoped3A : memref<!tpu.dma_semaphore, #tpu.memory_space<semaphore_mem>>) src(%dma_wait3A_53 : memref<128xi32, #tpu.memory_space<hbm>>) dst(%arg8 : memref<128xi32, #tpu.memory_space<vmem>>)
        tpu.yield
      }) : () -> ()
      "tpu.region"() ({
        %run_scoped3A = tpu.sem_alloc : memref<!tpu.dma_semaphore, #tpu.memory_space<semaphore_mem>>
        %dma_start3A_50 = tpu.memref_slice %arg4[%mul3A_45] : memref<323584xi32, #tpu.memory_space<hbm>> -> memref<128xi32, #tpu.memory_space<hbm>>
        %dma_start3A_51 = tpu.memref_slice %arg4[%mul3A_45] : memref<323584xi32, #tpu.memory_space<hbm>> -> memref<128xi32, #tpu.memory_space<hbm>>
        tpu.enqueue_dma source(%dma_start3A_51 : memref<128xi32, #tpu.memory_space<hbm>>) target(%arg9 : memref<128xi32, #tpu.memory_space<vmem>>) target_semaphore(%run_scoped3A : memref<!tpu.dma_semaphore, #tpu.memory_space<semaphore_mem>>)
        %dma_wait3A_52 = tpu.memref_slice %arg4[%mul3A_45] : memref<323584xi32, #tpu.memory_space<hbm>> -> memref<128xi32, #tpu.memory_space<hbm>>
        %dma_wait3A_53 = tpu.memref_slice %arg4[%mul3A_45] : memref<323584xi32, #tpu.memory_space<hbm>> -> memref<128xi32, #tpu.memory_space<hbm>>
        tpu.wait_dma2 semaphore(%run_scoped3A : memref<!tpu.dma_semaphore, #tpu.memory_space<semaphore_mem>>) src(%dma_wait3A_53 : memref<128xi32, #tpu.memory_space<hbm>>) dst(%arg9 : memref<128xi32, #tpu.memory_space<vmem>>)
        tpu.yield
      }) : () -> ()
      %dma_start3A = arith.constant 0 : i32
      %dma_start3A_46 = arith.constant 0 : i32
      %dma_start3A_47 = tpu.memref_slice %arg2[%dma_start3A, %dma_start3A_46] : memref<10000x128xf32, #tpu.memory_space<hbm>> -> memref<10000x128xf32, #tpu.memory_space<hbm>>
      tpu.enqueue_indirect_dma source(%dma_start3A_47 : memref<10000x128xf32, #tpu.memory_space<hbm>>) target(%arg7 : memref<128x128xf32, #tpu.memory_space<vmem>>) offsets(%arg8 : memref<128xi32, #tpu.memory_space<vmem>>) semaphore(%arg10 : memref<!tpu.dma_semaphore, #tpu.memory_space<semaphore_mem>>)
      %dma_wait3A = arith.constant 0 : i32
      %dma_wait3A_48 = arith.constant 0 : i32
      %dma_wait3A_49 = tpu.memref_slice %arg2[%dma_wait3A, %dma_wait3A_48] : memref<10000x128xf32, #tpu.memory_space<hbm>> -> memref<10000x128xf32, #tpu.memory_space<hbm>>
      tpu.wait_indirect_dma semaphore(%arg10 : memref<!tpu.dma_semaphore, #tpu.memory_space<semaphore_mem>>) src(%dma_wait3A_49 : memref<10000x128xf32, #tpu.memory_space<hbm>>) dst(%arg7 : memref<128x128xf32, #tpu.memory_space<vmem>>)
      "tpu.region"() ({
        %run_scoped3A = tpu.sem_alloc : memref<!tpu.dma_semaphore, #tpu.memory_space<semaphore_mem>>
        %dma_start3A_50 = arith.constant 0 : i32
        %dma_start3A_51 = arith.constant 0 : i32
        %dma_start3A_52 = tpu.memref_slice %arg6[%dma_start3A_50, %dma_start3A_51] : memref<10240x128xf32, #tpu.memory_space<vmem_shared>> -> memref<10240x128xf32, #tpu.memory_space<vmem_shared>>
        tpu.enqueue_indirect_dma source(%arg7 : memref<128x128xf32, #tpu.memory_space<vmem>>) target(%dma_start3A_52 : memref<10240x128xf32, #tpu.memory_space<vmem_shared>>) offsets(%arg9 : memref<128xi32, #tpu.memory_space<vmem>>) semaphore(%run_scoped3A : memref<!tpu.dma_semaphore, #tpu.memory_space<semaphore_mem>>) {add = true}
        %dma_wait3A_53 = arith.constant 0 : i32
        %dma_wait3A_54 = arith.constant 0 : i32
        %dma_wait3A_55 = tpu.memref_slice %arg6[%dma_wait3A_53, %dma_wait3A_54] : memref<10240x128xf32, #tpu.memory_space<vmem_shared>> -> memref<10240x128xf32, #tpu.memory_space<vmem_shared>>
        tpu.wait_indirect_dma semaphore(%run_scoped3A : memref<!tpu.dma_semaphore, #tpu.memory_space<semaphore_mem>>) src(%arg7 : memref<128x128xf32, #tpu.memory_space<vmem>>) dst(%dma_wait3A_55 : memref<10240x128xf32, #tpu.memory_space<vmem_shared>>)
        tpu.yield
      }) : () -> ()
    }
    %scan3A_31 = arith.constant 79 : i32
    %barrier3A_32 = arith.constant 0 : index
    tpu.barrier barrier_id(%barrier3A_32)
    %mul3A_33 = arith.constant 10240 : i32
    %mul3A_34 = arith.muli %arg0, %mul3A_33 : i32
    %mul3A_35 = arith.constant 640 : i32
    %mul3A_36 = arith.muli %arg1, %mul3A_35 : i32
    %add3A_37 = arith.addi %mul3A_34, %mul3A_36 : i32
    %mul3A_38 = arith.constant 640 : i32
    %mul3A_39 = arith.muli %arg1, %mul3A_38 : i32
    "tpu.region"() ({
      %run_scoped3A = tpu.sem_alloc : memref<!tpu.dma_semaphore, #tpu.memory_space<semaphore_mem>>
      %dma_start3A = arith.constant 0 : i32
      %dma_start3A_40 = tpu.memref_slice %arg5[%add3A_37, %dma_start3A] : memref<20480x128xf32, #tpu.memory_space<hbm>> -> memref<640x128xf32, #tpu.memory_space<hbm>>
      %dma_start3A_41 = arith.constant 0 : i32
      %dma_start3A_42 = tpu.memref_slice %arg6[%mul3A_39, %dma_start3A_41] : memref<10240x128xf32, #tpu.memory_space<vmem_shared>> -> memref<640x128xf32, #tpu.memory_space<vmem_shared>>
      tpu.enqueue_dma source(%dma_start3A_42 : memref<640x128xf32, #tpu.memory_space<vmem_shared>>) target(%dma_start3A_40 : memref<640x128xf32, #tpu.memory_space<hbm>>) target_semaphore(%run_scoped3A : memref<!tpu.dma_semaphore, #tpu.memory_space<semaphore_mem>>)
      %dma_wait3A = arith.constant 0 : i32
      %dma_wait3A_43 = tpu.memref_slice %arg5[%add3A_37, %dma_wait3A] : memref<20480x128xf32, #tpu.memory_space<hbm>> -> memref<640x128xf32, #tpu.memory_space<hbm>>
      %dma_wait3A_44 = arith.constant 0 : i32
      %dma_wait3A_45 = tpu.memref_slice %arg6[%mul3A_39, %dma_wait3A_44] : memref<10240x128xf32, #tpu.memory_space<vmem_shared>> -> memref<640x128xf32, #tpu.memory_space<vmem_shared>>
      tpu.wait_dma2 semaphore(%run_scoped3A : memref<!tpu.dma_semaphore, #tpu.memory_space<semaphore_mem>>) src(%dma_wait3A_45 : memref<640x128xf32, #tpu.memory_space<vmem_shared>>) dst(%dma_wait3A_43 : memref<640x128xf32, #tpu.memory_space<hbm>>)
      tpu.yield
    }) : () -> ()
    return
  }
}

#map = affine_map<(d0, d1) -> (0, 0)>
#map1 = affine_map<(d0, d1) -> (0)>
module attributes {stable_mosaic.version = 14 : i64} {
  func.func @k(%arg0: i32, %arg1: i32, %arg2: memref<10000x128xf32, #tpu.memory_space<hbm>>, %arg3: memref<323584xi32, #tpu.memory_space<hbm>>, %arg4: memref<323584xi32, #tpu.memory_space<hbm>>, %arg5: memref<20480x128xf32, #tpu.memory_space<hbm>>, %arg6: memref<10240x128xf32, #tpu.memory_space<vmem_shared>>, %arg7: memref<128x128xf32, #tpu.memory_space<vmem>>, %arg8: memref<128xi32, #tpu.memory_space<vmem>>, %arg9: memref<128xi32, #tpu.memory_space<vmem>>, %arg10: memref<!tpu.dma_semaphore, #tpu.memory_space<semaphore_mem>>) attributes {dimension_semantics = [#tpu.dimension_semantics<core_parallel>, #tpu.dimension_semantics<subcore_parallel>], iteration_bounds = array<i64: 2, 16>, scalar_prefetch = 0 : i64, scratch_operands = 5 : i64, tpu.core_type = #tpu.core_type<sc_vector_subcore>, window_params = [{transform_indices = #map}, {transform_indices = #map1}, {transform_indices = #map1}, {transform_indices = #map}]} {
    %mul3A = arith.constant 16 : i32
    %mul3A_0 = arith.muli %arg0, %mul3A : i32
    %add3A = arith.addi %mul3A_0, %arg1 : i32
    %scan3A = arith.constant 0 : i32
    %scan3A_1 = arith.constant 0 : i32
    %scan3A_2 = arith.constant 1024 : i32
    %scan3A_3 = arith.addi %scan3A_1, %scan3A_2 : i32
    %scan3A_4 = arith.constant 1 : i32
    scf.for %scan3A_40 = %scan3A_1 to %scan3A_3 step %scan3A_4  : i32 {
      %jit3A = arith.constant 8 : i32
      %div3A = arith.divsi %scan3A_40, %jit3A : i32
      %sign3A = arith.constant 0 : i32
      %sign3A_41 = arith.cmpi sgt, %scan3A_40, %sign3A : i32
      %sign3A_42 = arith.extui %sign3A_41 : i1 to i32
      %sign3A_43 = arith.constant 0 : i32
      %sign3A_44 = arith.cmpi slt, %scan3A_40, %sign3A_43 : i32
      %sign3A_45 = arith.extui %sign3A_44 : i1 to i32
      %sign3A_46 = arith.subi %sign3A_42, %sign3A_45 : i32
      %sign3A_47 = arith.constant 0 : i32
      %sign3A_48 = arith.cmpi sgt, %jit3A, %sign3A_47 : i32
      %sign3A_49 = arith.extui %sign3A_48 : i1 to i32
      %sign3A_50 = arith.constant 0 : i32
      %sign3A_51 = arith.cmpi slt, %jit3A, %sign3A_50 : i32
      %sign3A_52 = arith.extui %sign3A_51 : i1 to i32
      %sign3A_53 = arith.subi %sign3A_49, %sign3A_52 : i32
      %ne3A = arith.cmpi ne, %sign3A_46, %sign3A_53 : i32
      %rem3A = arith.remsi %scan3A_40, %jit3A : i32
      %ne3A_54 = arith.constant 0 : i32
      %ne3A_55 = arith.cmpi ne, %rem3A, %ne3A_54 : i32
      %and3A = arith.andi %ne3A, %ne3A_55 : i1
      %sub3A = arith.constant 1 : i32
      %sub3A_56 = arith.subi %div3A, %sub3A : i32
      %select_n3A = arith.select %and3A, %sub3A_56, %div3A : i32
      %jit3A_57 = arith.constant 8 : i32
      %eq3A = arith.constant 0 : i32
      %eq3A_58 = arith.cmpi eq, %jit3A_57, %eq3A : i32
      %jit3A_59 = arith.constant 1 : i32
      %select_n3A_60 = arith.select %eq3A_58, %jit3A_59, %jit3A_57 : i32
      %rem3A_61 = arith.remsi %scan3A_40, %select_n3A_60 : i32
      %ne3A_62 = arith.constant 0 : i32
      %ne3A_63 = arith.cmpi ne, %rem3A_61, %ne3A_62 : i32
      %lt3A = arith.constant 0 : i32
      %lt3A_64 = arith.cmpi slt, %rem3A_61, %lt3A : i32
      %lt3A_65 = arith.constant 0 : i32
      %lt3A_66 = arith.cmpi slt, %select_n3A_60, %lt3A_65 : i32
      %ne3A_67 = arith.xori %lt3A_64, %lt3A_66 : i1
      %and3A_68 = arith.andi %ne3A_67, %ne3A_63 : i1
      %add3A_69 = arith.addi %rem3A_61, %select_n3A_60 : i32
      %select_n3A_70 = arith.select %and3A_68, %add3A_69, %rem3A_61 : i32
      %broadcast_in_dim3A = arith.constant 0.000000e+00 : f32
      %broadcast_in_dim3A_71 = vector.broadcast %broadcast_in_dim3A : f32 to vector<16xf32>
      %mul3A_72 = arith.constant 16 : i32
      %mul3A_73 = arith.muli %select_n3A_70, %mul3A_72 : i32
      %swap3A = arith.index_cast %select_n3A : i32 to index
      %swap3A_74 = arith.index_cast %mul3A_73 : i32 to index
      %swap3A_75 = tpu.vector_load %arg7[%swap3A, %swap3A_74] {strides = array<i32>} : memref<128x128xf32, #tpu.memory_space<vmem>>, vector<1x16xf32>,
      %swap3A_76 = vector.shape_cast %swap3A_75 : vector<1x16xf32> to vector<16xf32>
      %swap3A_77 = vector.shape_cast %broadcast_in_dim3A_71 : vector<16xf32> to vector<1x16xf32>
      tpu.vector_store %arg7[%swap3A, %swap3A_74], %swap3A_77 {strides = array<i32>} : memref<128x128xf32, #tpu.memory_space<vmem>>, vector<1x16xf32>,
    }
    %scan3A_5 = arith.constant 1024 : i32
    %mul3A_6 = arith.constant 640 : i32
    %mul3A_7 = arith.muli %arg1, %mul3A_6 : i32
    %add3A_8 = arith.constant 0 : i32
    %add3A_9 = arith.addi %mul3A_7, %add3A_8 : i32
    "tpu.region"() ({
      %run_scoped3A = tpu.sem_alloc : memref<!tpu.dma_semaphore, #tpu.memory_space<semaphore_mem>>
      %dma_start3A = arith.constant 0 : i32
      %dma_start3A_40 = tpu.memref_slice %arg6[%add3A_9, %dma_start3A] : memref<10240x128xf32, #tpu.memory_space<vmem_shared>> -> memref<128x128xf32, #tpu.memory_space<vmem_shared>>
      %dma_start3A_41 = arith.constant 0 : i32
      %dma_start3A_42 = tpu.memref_slice %arg6[%add3A_9, %dma_start3A_41] : memref<10240x128xf32, #tpu.memory_space<vmem_shared>> -> memref<128x128xf32, #tpu.memory_space<vmem_shared>>
      tpu.enqueue_dma source(%arg7 : memref<128x128xf32, #tpu.memory_space<vmem>>) target(%dma_start3A_42 : memref<128x128xf32, #tpu.memory_space<vmem_shared>>) target_semaphore(%run_scoped3A : memref<!tpu.dma_semaphore, #tpu.memory_space<semaphore_mem>>)
      %dma_wait3A = arith.constant 0 : i32
      %dma_wait3A_43 = tpu.memref_slice %arg6[%add3A_9, %dma_wait3A] : memref<10240x128xf32, #tpu.memory_space<vmem_shared>> -> memref<128x128xf32, #tpu.memory_space<vmem_shared>>
      %dma_wait3A_44 = arith.constant 0 : i32
      %dma_wait3A_45 = tpu.memref_slice %arg6[%add3A_9, %dma_wait3A_44] : memref<10240x128xf32, #tpu.memory_space<vmem_shared>> -> memref<128x128xf32, #tpu.memory_space<vmem_shared>>
      tpu.wait_dma2 semaphore(%run_scoped3A : memref<!tpu.dma_semaphore, #tpu.memory_space<semaphore_mem>>) src(%arg7 : memref<128x128xf32, #tpu.memory_space<vmem>>) dst(%dma_wait3A_45 : memref<128x128xf32, #tpu.memory_space<vmem_shared>>)
      tpu.yield
    }) : () -> ()
    %mul3A_10 = arith.constant 640 : i32
    %mul3A_11 = arith.muli %arg1, %mul3A_10 : i32
    %add3A_12 = arith.constant 128 : i32
    %add3A_13 = arith.addi %mul3A_11, %add3A_12 : i32
    "tpu.region"() ({
      %run_scoped3A = tpu.sem_alloc : memref<!tpu.dma_semaphore, #tpu.memory_space<semaphore_mem>>
      %dma_start3A = arith.constant 0 : i32
      %dma_start3A_40 = tpu.memref_slice %arg6[%add3A_13, %dma_start3A] : memref<10240x128xf32, #tpu.memory_space<vmem_shared>> -> memref<128x128xf32, #tpu.memory_space<vmem_shared>>
      %dma_start3A_41 = arith.constant 0 : i32
      %dma_start3A_42 = tpu.memref_slice %arg6[%add3A_13, %dma_start3A_41] : memref<10240x128xf32, #tpu.memory_space<vmem_shared>> -> memref<128x128xf32, #tpu.memory_space<vmem_shared>>
      tpu.enqueue_dma source(%arg7 : memref<128x128xf32, #tpu.memory_space<vmem>>) target(%dma_start3A_42 : memref<128x128xf32, #tpu.memory_space<vmem_shared>>) target_semaphore(%run_scoped3A : memref<!tpu.dma_semaphore, #tpu.memory_space<semaphore_mem>>)
      %dma_wait3A = arith.constant 0 : i32
      %dma_wait3A_43 = tpu.memref_slice %arg6[%add3A_13, %dma_wait3A] : memref<10240x128xf32, #tpu.memory_space<vmem_shared>> -> memref<128x128xf32, #tpu.memory_space<vmem_shared>>
      %dma_wait3A_44 = arith.constant 0 : i32
      %dma_wait3A_45 = tpu.memref_slice %arg6[%add3A_13, %dma_wait3A_44] : memref<10240x128xf32, #tpu.memory_space<vmem_shared>> -> memref<128x128xf32, #tpu.memory_space<vmem_shared>>
      tpu.wait_dma2 semaphore(%run_scoped3A : memref<!tpu.dma_semaphore, #tpu.memory_space<semaphore_mem>>) src(%arg7 : memref<128x128xf32, #tpu.memory_space<vmem>>) dst(%dma_wait3A_45 : memref<128x128xf32, #tpu.memory_space<vmem_shared>>)
      tpu.yield
    }) : () -> ()
    %mul3A_14 = arith.constant 640 : i32
    %mul3A_15 = arith.muli %arg1, %mul3A_14 : i32
    %add3A_16 = arith.constant 256 : i32
    %add3A_17 = arith.addi %mul3A_15, %add3A_16 : i32
    "tpu.region"() ({
      %run_scoped3A = tpu.sem_alloc : memref<!tpu.dma_semaphore, #tpu.memory_space<semaphore_mem>>
      %dma_start3A = arith.constant 0 : i32
      %dma_start3A_40 = tpu.memref_slice %arg6[%add3A_17, %dma_start3A] : memref<10240x128xf32, #tpu.memory_space<vmem_shared>> -> memref<128x128xf32, #tpu.memory_space<vmem_shared>>
      %dma_start3A_41 = arith.constant 0 : i32
      %dma_start3A_42 = tpu.memref_slice %arg6[%add3A_17, %dma_start3A_41] : memref<10240x128xf32, #tpu.memory_space<vmem_shared>> -> memref<128x128xf32, #tpu.memory_space<vmem_shared>>
      tpu.enqueue_dma source(%arg7 : memref<128x128xf32, #tpu.memory_space<vmem>>) target(%dma_start3A_42 : memref<128x128xf32, #tpu.memory_space<vmem_shared>>) target_semaphore(%run_scoped3A : memref<!tpu.dma_semaphore, #tpu.memory_space<semaphore_mem>>)
      %dma_wait3A = arith.constant 0 : i32
      %dma_wait3A_43 = tpu.memref_slice %arg6[%add3A_17, %dma_wait3A] : memref<10240x128xf32, #tpu.memory_space<vmem_shared>> -> memref<128x128xf32, #tpu.memory_space<vmem_shared>>
      %dma_wait3A_44 = arith.constant 0 : i32
      %dma_wait3A_45 = tpu.memref_slice %arg6[%add3A_17, %dma_wait3A_44] : memref<10240x128xf32, #tpu.memory_space<vmem_shared>> -> memref<128x128xf32, #tpu.memory_space<vmem_shared>>
      tpu.wait_dma2 semaphore(%run_scoped3A : memref<!tpu.dma_semaphore, #tpu.memory_space<semaphore_mem>>) src(%arg7 : memref<128x128xf32, #tpu.memory_space<vmem>>) dst(%dma_wait3A_45 : memref<128x128xf32, #tpu.memory_space<vmem_shared>>)
      tpu.yield
    }) : () -> ()
    %mul3A_18 = arith.constant 640 : i32
    %mul3A_19 = arith.muli %arg1, %mul3A_18 : i32
    %add3A_20 = arith.constant 384 : i32
    %add3A_21 = arith.addi %mul3A_19, %add3A_20 : i32
    "tpu.region"() ({
      %run_scoped3A = tpu.sem_alloc : memref<!tpu.dma_semaphore, #tpu.memory_space<semaphore_mem>>
      %dma_start3A = arith.constant 0 : i32
      %dma_start3A_40 = tpu.memref_slice %arg6[%add3A_21, %dma_start3A] : memref<10240x128xf32, #tpu.memory_space<vmem_shared>> -> memref<128x128xf32, #tpu.memory_space<vmem_shared>>
      %dma_start3A_41 = arith.constant 0 : i32
      %dma_start3A_42 = tpu.memref_slice %arg6[%add3A_21, %dma_start3A_41] : memref<10240x128xf32, #tpu.memory_space<vmem_shared>> -> memref<128x128xf32, #tpu.memory_space<vmem_shared>>
      tpu.enqueue_dma source(%arg7 : memref<128x128xf32, #tpu.memory_space<vmem>>) target(%dma_start3A_42 : memref<128x128xf32, #tpu.memory_space<vmem_shared>>) target_semaphore(%run_scoped3A : memref<!tpu.dma_semaphore, #tpu.memory_space<semaphore_mem>>)
      %dma_wait3A = arith.constant 0 : i32
      %dma_wait3A_43 = tpu.memref_slice %arg6[%add3A_21, %dma_wait3A] : memref<10240x128xf32, #tpu.memory_space<vmem_shared>> -> memref<128x128xf32, #tpu.memory_space<vmem_shared>>
      %dma_wait3A_44 = arith.constant 0 : i32
      %dma_wait3A_45 = tpu.memref_slice %arg6[%add3A_21, %dma_wait3A_44] : memref<10240x128xf32, #tpu.memory_space<vmem_shared>> -> memref<128x128xf32, #tpu.memory_space<vmem_shared>>
      tpu.wait_dma2 semaphore(%run_scoped3A : memref<!tpu.dma_semaphore, #tpu.memory_space<semaphore_mem>>) src(%arg7 : memref<128x128xf32, #tpu.memory_space<vmem>>) dst(%dma_wait3A_45 : memref<128x128xf32, #tpu.memory_space<vmem_shared>>)
      tpu.yield
    }) : () -> ()
    %mul3A_22 = arith.constant 640 : i32
    %mul3A_23 = arith.muli %arg1, %mul3A_22 : i32
    %add3A_24 = arith.constant 512 : i32
    %add3A_25 = arith.addi %mul3A_23, %add3A_24 : i32
    "tpu.region"() ({
      %run_scoped3A = tpu.sem_alloc : memref<!tpu.dma_semaphore, #tpu.memory_space<semaphore_mem>>
      %dma_start3A = arith.constant 0 : i32
      %dma_start3A_40 = tpu.memref_slice %arg6[%add3A_25, %dma_start3A] : memref<10240x128xf32, #tpu.memory_space<vmem_shared>> -> memref<128x128xf32, #tpu.memory_space<vmem_shared>>
      %dma_start3A_41 = arith.constant 0 : i32
      %dma_start3A_42 = tpu.memref_slice %arg6[%add3A_25, %dma_start3A_41] : memref<10240x128xf32, #tpu.memory_space<vmem_shared>> -> memref<128x128xf32, #tpu.memory_space<vmem_shared>>
      tpu.enqueue_dma source(%arg7 : memref<128x128xf32, #tpu.memory_space<vmem>>) target(%dma_start3A_42 : memref<128x128xf32, #tpu.memory_space<vmem_shared>>) target_semaphore(%run_scoped3A : memref<!tpu.dma_semaphore, #tpu.memory_space<semaphore_mem>>)
      %dma_wait3A = arith.constant 0 : i32
      %dma_wait3A_43 = tpu.memref_slice %arg6[%add3A_25, %dma_wait3A] : memref<10240x128xf32, #tpu.memory_space<vmem_shared>> -> memref<128x128xf32, #tpu.memory_space<vmem_shared>>
      %dma_wait3A_44 = arith.constant 0 : i32
      %dma_wait3A_45 = tpu.memref_slice %arg6[%add3A_25, %dma_wait3A_44] : memref<10240x128xf32, #tpu.memory_space<vmem_shared>> -> memref<128x128xf32, #tpu.memory_space<vmem_shared>>
      tpu.wait_dma2 semaphore(%run_scoped3A : memref<!tpu.dma_semaphore, #tpu.memory_space<semaphore_mem>>) src(%arg7 : memref<128x128xf32, #tpu.memory_space<vmem>>) dst(%dma_wait3A_45 : memref<128x128xf32, #tpu.memory_space<vmem_shared>>)
      tpu.yield
    }) : () -> ()
    %barrier3A = arith.constant 0 : index
    tpu.barrier barrier_id(%barrier3A)
    %scan3A_26 = arith.constant 0 : i32
    %scan3A_27 = arith.constant 0 : i32
    %scan3A_28 = arith.constant 79 : i32
    %scan3A_29 = arith.addi %scan3A_27, %scan3A_28 : i32
    %scan3A_30 = arith.constant 1 : i32
    scf.for %scan3A_40 = %scan3A_27 to %scan3A_29 step %scan3A_30  : i32 {
      %mul3A_41 = arith.constant 79 : i32
      %mul3A_42 = arith.muli %add3A, %mul3A_41 : i32
      %add3A_43 = arith.addi %mul3A_42, %scan3A_40 : i32
      %mul3A_44 = arith.constant 128 : i32
      %mul3A_45 = arith.muli %add3A_43, %mul3A_44 : i32
      "tpu.region"() ({
        %run_scoped3A = tpu.sem_alloc : memref<!tpu.dma_semaphore, #tpu.memory_space<semaphore_mem>>
        %dma_start3A_50 = tpu.memref_slice %arg3[%mul3A_45] : memref<323584xi32, #tpu.memory_space<hbm>> -> memref<128xi32, #tpu.memory_space<hbm>>
        %dma_start3A_51 = tpu.memref_slice %arg3[%mul3A_45] : memref<323584xi32, #tpu.memory_space<hbm>> -> memref<128xi32, #tpu.memory_space<hbm>>
        tpu.enqueue_dma source(%dma_start3A_51 : memref<128xi32, #tpu.memory_space<hbm>>) target(%arg8 : memref<128xi32, #tpu.memory_space<vmem>>) target_semaphore(%run_scoped3A : memref<!tpu.dma_semaphore, #tpu.memory_space<semaphore_mem>>)
        %dma_wait3A_52 = tpu.memref_slice %arg3[%mul3A_45] : memref<323584xi32, #tpu.memory_space<hbm>> -> memref<128xi32, #tpu.memory_space<hbm>>
        %dma_wait3A_53 = tpu.memref_slice %arg3[%mul3A_45] : memref<323584xi32, #tpu.memory_space<hbm>> -> memref<128xi32, #tpu.memory_space<hbm>>
        tpu.wait_dma2 semaphore(%run_scoped3A : memref<!tpu.dma_semaphore, #tpu.memory_space<semaphore_mem>>) src(%dma_wait3A_53 : memref<128xi32, #tpu.memory_space<hbm>>) dst(%arg8 : memref<128xi32, #tpu.memory_space<vmem>>)
        tpu.yield
      }) : () -> ()
      "tpu.region"() ({
        %run_scoped3A = tpu.sem_alloc : memref<!tpu.dma_semaphore, #tpu.memory_space<semaphore_mem>>
        %dma_start3A_50 = tpu.memref_slice %arg4[%mul3A_45] : memref<323584xi32, #tpu.memory_space<hbm>> -> memref<128xi32, #tpu.memory_space<hbm>>
        %dma_start3A_51 = tpu.memref_slice %arg4[%mul3A_45] : memref<323584xi32, #tpu.memory_space<hbm>> -> memref<128xi32, #tpu.memory_space<hbm>>
        tpu.enqueue_dma source(%dma_start3A_51 : memref<128xi32, #tpu.memory_space<hbm>>) target(%arg9 : memref<128xi32, #tpu.memory_space<vmem>>) target_semaphore(%run_scoped3A : memref<!tpu.dma_semaphore, #tpu.memory_space<semaphore_mem>>)
        %dma_wait3A_52 = tpu.memref_slice %arg4[%mul3A_45] : memref<323584xi32, #tpu.memory_space<hbm>> -> memref<128xi32, #tpu.memory_space<hbm>>
        %dma_wait3A_53 = tpu.memref_slice %arg4[%mul3A_45] : memref<323584xi32, #tpu.memory_space<hbm>> -> memref<128xi32, #tpu.memory_space<hbm>>
        tpu.wait_dma2 semaphore(%run_scoped3A : memref<!tpu.dma_semaphore, #tpu.memory_space<semaphore_mem>>) src(%dma_wait3A_53 : memref<128xi32, #tpu.memory_space<hbm>>) dst(%arg9 : memref<128xi32, #tpu.memory_space<vmem>>)
        tpu.yield
      }) : () -> ()
      %dma_start3A = arith.constant 0 : i32
      %dma_start3A_46 = arith.constant 0 : i32
      %dma_start3A_47 = tpu.memref_slice %arg2[%dma_start3A, %dma_start3A_46] : memref<10000x128xf32, #tpu.memory_space<hbm>> -> memref<10000x128xf32, #tpu.memory_space<hbm>>
      tpu.enqueue_indirect_dma source(%dma_start3A_47 : memref<10000x128xf32, #tpu.memory_space<hbm>>) target(%arg7 : memref<128x128xf32, #tpu.memory_space<vmem>>) offsets(%arg8 : memref<128xi32, #tpu.memory_space<vmem>>) semaphore(%arg10 : memref<!tpu.dma_semaphore, #tpu.memory_space<semaphore_mem>>)
      %dma_wait3A = arith.constant 0 : i32
      %dma_wait3A_48 = arith.constant 0 : i32
      %dma_wait3A_49 = tpu.memref_slice %arg2[%dma_wait3A, %dma_wait3A_48] : memref<10000x128xf32, #tpu.memory_space<hbm>> -> memref<10000x128xf32, #tpu.memory_space<hbm>>
      tpu.wait_indirect_dma semaphore(%arg10 : memref<!tpu.dma_semaphore, #tpu.memory_space<semaphore_mem>>) src(%dma_wait3A_49 : memref<10000x128xf32, #tpu.memory_space<hbm>>) dst(%arg7 : memref<128x128xf32, #tpu.memory_space<vmem>>)
      "tpu.region"() ({
        %run_scoped3A = tpu.sem_alloc : memref<!tpu.dma_semaphore, #tpu.memory_space<semaphore_mem>>
        %dma_start3A_50 = arith.constant 0 : i32
        %dma_start3A_51 = arith.constant 0 : i32
        %dma_start3A_52 = tpu.memref_slice %arg6[%dma_start3A_50, %dma_start3A_51] : memref<10240x128xf32, #tpu.memory_space<vmem_shared>> -> memref<10240x128xf32, #tpu.memory_space<vmem_shared>>
        tpu.enqueue_indirect_dma source(%arg7 : memref<128x128xf32, #tpu.memory_space<vmem>>) target(%dma_start3A_52 : memref<10240x128xf32, #tpu.memory_space<vmem_shared>>) offsets(%arg9 : memref<128xi32, #tpu.memory_space<vmem>>) semaphore(%run_scoped3A : memref<!tpu.dma_semaphore, #tpu.memory_space<semaphore_mem>>) {add = true}
        %dma_wait3A_53 = arith.constant 0 : i32
        %dma_wait3A_54 = arith.constant 0 : i32
        %dma_wait3A_55 = tpu.memref_slice %arg6[%dma_wait3A_53, %dma_wait3A_54] : memref<10240x128xf32, #tpu.memory_space<vmem_shared>> -> memref<10240x128xf32, #tpu.memory_space<vmem_shared>>
        tpu.wait_indirect_dma semaphore(%run_scoped3A : memref<!tpu.dma_semaphore, #tpu.memory_space<semaphore_mem>>) src(%arg7 : memref<128x128xf32, #tpu.memory_space<vmem>>) dst(%dma_wait3A_55 : memref<10240x128xf32, #tpu.memory_space<vmem_shared>>)
        tpu.yield
      }) : () -> ()
    }
    %scan3A_31 = arith.constant 79 : i32
    %barrier3A_32 = arith.constant 0 : index
    tpu.barrier barrier_id(%barrier3A_32)
    %mul3A_33 = arith.constant 10240 : i32
    %mul3A_34 = arith.muli %arg0, %mul3A_33 : i32
    %mul3A_35 = arith.constant 640 : i32
    %mul3A_36 = arith.muli %arg1, %mul3A_35 : i32
    %add3A_37 = arith.addi %mul3A_34, %mul3A_36 : i32
    %mul3A_38 = arith.constant 640 : i32
    %mul3A_39 = arith.muli %arg1, %mul3A_38 : i32
    "tpu.region"() ({
      %run_scoped3A = tpu.sem_alloc : memref<!tpu.dma_semaphore, #tpu.memory_space<semaphore_mem>>
      %dma_start3A = arith.constant 0 : i32
      %dma_start3A_40 = tpu.memref_slice %arg5[%add3A_37, %dma_start3A] : memref<20480x128xf32, #tpu.memory_space<hbm>> -> memref<640x128xf32, #tpu.memory_space<hbm>>
      %dma_start3A_41 = arith.constant 0 : i32
      %dma_start3A_42 = tpu.memref_slice %arg6[%mul3A_39, %dma_start3A_41] : memref<10240x128xf32, #tpu.memory_space<vmem_shared>> -> memref<640x128xf32, #tpu.memory_space<vmem_shared>>
      tpu.enqueue_dma source(%dma_start3A_42 : memref<640x128xf32, #tpu.memory_space<vmem_shared>>) target(%dma_start3A_40 : memref<640x128xf32, #tpu.memory_space<hbm>>) target_semaphore(%run_scoped3A : memref<!tpu.dma_semaphore, #tpu.memory_space<semaphore_mem>>)
      %dma_wait3A = arith.constant 0 : i32
      %dma_wait3A_43 = tpu.memref_slice %arg5[%add3A_37, %dma_wait3A] : memref<20480x128xf32, #tpu.memory_space<hbm>> -> memref<640x128xf32, #tpu.memory_space<hbm>>
      %dma_wait3A_44 = arith.constant 0 : i32
      %dma_wait3A_45 = tpu.memref_slice %arg6[%mul3A_39, %dma_wait3A_44] : memref<10240x128xf32, #tpu.memory_space<vmem_shared>> -> memref<640x128xf32, #tpu.memory_space<vmem_shared>>
      tpu.wait_dma2 semaphore(%run_scoped3A : memref<!tpu.dma_semaphore, #tpu.memory_space<semaphore_mem>>) src(%dma_wait3A_45 : memref<640x128xf32, #tpu.memory_space<vmem_shared>>) dst(%dma_wait3A_43 : memref<640x128xf32, #tpu.memory_space<hbm>>)
      tpu.yield
    }) : () -> ()
    return
  }
}

#map = affine_map<(d0, d1) -> (0, 0)>
#map1 = affine_map<(d0, d1) -> (0)>
module attributes {stable_mosaic.version = 14 : i64} {
  func.func @k(%arg0: i32, %arg1: i32, %arg2: memref<10000x128xf32, #tpu.memory_space<hbm>>, %arg3: memref<323584xi32, #tpu.memory_space<hbm>>, %arg4: memref<323584xi32, #tpu.memory_space<hbm>>, %arg5: memref<20480x128xf32, #tpu.memory_space<hbm>>, %arg6: memref<10240x128xf32, #tpu.memory_space<vmem_shared>>, %arg7: memref<128x128xf32, #tpu.memory_space<vmem>>, %arg8: memref<128xi32, #tpu.memory_space<vmem>>, %arg9: memref<128xi32, #tpu.memory_space<vmem>>, %arg10: memref<!tpu.dma_semaphore, #tpu.memory_space<semaphore_mem>>) attributes {dimension_semantics = [#tpu.dimension_semantics<core_parallel>, #tpu.dimension_semantics<subcore_parallel>], iteration_bounds = array<i64: 2, 16>, scalar_prefetch = 0 : i64, scratch_operands = 5 : i64, tpu.core_type = #tpu.core_type<sc_vector_subcore>, window_params = [{transform_indices = #map}, {transform_indices = #map1}, {transform_indices = #map1}, {transform_indices = #map}]} {
    %mul3A = arith.constant 16 : i32
    %mul3A_0 = arith.muli %arg0, %mul3A : i32
    %add3A = arith.addi %mul3A_0, %arg1 : i32
    %scan3A = arith.constant 0 : i32
    %scan3A_1 = arith.constant 0 : i32
    %scan3A_2 = arith.constant 1024 : i32
    %scan3A_3 = arith.addi %scan3A_1, %scan3A_2 : i32
    %scan3A_4 = arith.constant 1 : i32
    scf.for %scan3A_40 = %scan3A_1 to %scan3A_3 step %scan3A_4  : i32 {
      %jit3A = arith.constant 8 : i32
      %div3A = arith.divsi %scan3A_40, %jit3A : i32
      %sign3A = arith.constant 0 : i32
      %sign3A_41 = arith.cmpi sgt, %scan3A_40, %sign3A : i32
      %sign3A_42 = arith.extui %sign3A_41 : i1 to i32
      %sign3A_43 = arith.constant 0 : i32
      %sign3A_44 = arith.cmpi slt, %scan3A_40, %sign3A_43 : i32
      %sign3A_45 = arith.extui %sign3A_44 : i1 to i32
      %sign3A_46 = arith.subi %sign3A_42, %sign3A_45 : i32
      %sign3A_47 = arith.constant 0 : i32
      %sign3A_48 = arith.cmpi sgt, %jit3A, %sign3A_47 : i32
      %sign3A_49 = arith.extui %sign3A_48 : i1 to i32
      %sign3A_50 = arith.constant 0 : i32
      %sign3A_51 = arith.cmpi slt, %jit3A, %sign3A_50 : i32
      %sign3A_52 = arith.extui %sign3A_51 : i1 to i32
      %sign3A_53 = arith.subi %sign3A_49, %sign3A_52 : i32
      %ne3A = arith.cmpi ne, %sign3A_46, %sign3A_53 : i32
      %rem3A = arith.remsi %scan3A_40, %jit3A : i32
      %ne3A_54 = arith.constant 0 : i32
      %ne3A_55 = arith.cmpi ne, %rem3A, %ne3A_54 : i32
      %and3A = arith.andi %ne3A, %ne3A_55 : i1
      %sub3A = arith.constant 1 : i32
      %sub3A_56 = arith.subi %div3A, %sub3A : i32
      %select_n3A = arith.select %and3A, %sub3A_56, %div3A : i32
      %jit3A_57 = arith.constant 8 : i32
      %eq3A = arith.constant 0 : i32
      %eq3A_58 = arith.cmpi eq, %jit3A_57, %eq3A : i32
      %jit3A_59 = arith.constant 1 : i32
      %select_n3A_60 = arith.select %eq3A_58, %jit3A_59, %jit3A_57 : i32
      %rem3A_61 = arith.remsi %scan3A_40, %select_n3A_60 : i32
      %ne3A_62 = arith.constant 0 : i32
      %ne3A_63 = arith.cmpi ne, %rem3A_61, %ne3A_62 : i32
      %lt3A = arith.constant 0 : i32
      %lt3A_64 = arith.cmpi slt, %rem3A_61, %lt3A : i32
      %lt3A_65 = arith.constant 0 : i32
      %lt3A_66 = arith.cmpi slt, %select_n3A_60, %lt3A_65 : i32
      %ne3A_67 = arith.xori %lt3A_64, %lt3A_66 : i1
      %and3A_68 = arith.andi %ne3A_67, %ne3A_63 : i1
      %add3A_69 = arith.addi %rem3A_61, %select_n3A_60 : i32
      %select_n3A_70 = arith.select %and3A_68, %add3A_69, %rem3A_61 : i32
      %broadcast_in_dim3A = arith.constant 0.000000e+00 : f32
      %broadcast_in_dim3A_71 = vector.broadcast %broadcast_in_dim3A : f32 to vector<16xf32>
      %mul3A_72 = arith.constant 16 : i32
      %mul3A_73 = arith.muli %select_n3A_70, %mul3A_72 : i32
      %swap3A = arith.index_cast %select_n3A : i32 to index
      %swap3A_74 = arith.index_cast %mul3A_73 : i32 to index
      %swap3A_75 = tpu.vector_load %arg7[%swap3A, %swap3A_74] {strides = array<i32>} : memref<128x128xf32, #tpu.memory_space<vmem>>, vector<1x16xf32>,
      %swap3A_76 = vector.shape_cast %swap3A_75 : vector<1x16xf32> to vector<16xf32>
      %swap3A_77 = vector.shape_cast %broadcast_in_dim3A_71 : vector<16xf32> to vector<1x16xf32>
      tpu.vector_store %arg7[%swap3A, %swap3A_74], %swap3A_77 {strides = array<i32>} : memref<128x128xf32, #tpu.memory_space<vmem>>, vector<1x16xf32>,
    }
    %scan3A_5 = arith.constant 1024 : i32
    %mul3A_6 = arith.constant 640 : i32
    %mul3A_7 = arith.muli %arg1, %mul3A_6 : i32
    %add3A_8 = arith.constant 0 : i32
    %add3A_9 = arith.addi %mul3A_7, %add3A_8 : i32
    "tpu.region"() ({
      %run_scoped3A = tpu.sem_alloc : memref<!tpu.dma_semaphore, #tpu.memory_space<semaphore_mem>>
      %dma_start3A = arith.constant 0 : i32
      %dma_start3A_40 = tpu.memref_slice %arg6[%add3A_9, %dma_start3A] : memref<10240x128xf32, #tpu.memory_space<vmem_shared>> -> memref<128x128xf32, #tpu.memory_space<vmem_shared>>
      %dma_start3A_41 = arith.constant 0 : i32
      %dma_start3A_42 = tpu.memref_slice %arg6[%add3A_9, %dma_start3A_41] : memref<10240x128xf32, #tpu.memory_space<vmem_shared>> -> memref<128x128xf32, #tpu.memory_space<vmem_shared>>
      tpu.enqueue_dma source(%arg7 : memref<128x128xf32, #tpu.memory_space<vmem>>) target(%dma_start3A_42 : memref<128x128xf32, #tpu.memory_space<vmem_shared>>) target_semaphore(%run_scoped3A : memref<!tpu.dma_semaphore, #tpu.memory_space<semaphore_mem>>)
      %dma_wait3A = arith.constant 0 : i32
      %dma_wait3A_43 = tpu.memref_slice %arg6[%add3A_9, %dma_wait3A] : memref<10240x128xf32, #tpu.memory_space<vmem_shared>> -> memref<128x128xf32, #tpu.memory_space<vmem_shared>>
      %dma_wait3A_44 = arith.constant 0 : i32
      %dma_wait3A_45 = tpu.memref_slice %arg6[%add3A_9, %dma_wait3A_44] : memref<10240x128xf32, #tpu.memory_space<vmem_shared>> -> memref<128x128xf32, #tpu.memory_space<vmem_shared>>
      tpu.wait_dma2 semaphore(%run_scoped3A : memref<!tpu.dma_semaphore, #tpu.memory_space<semaphore_mem>>) src(%arg7 : memref<128x128xf32, #tpu.memory_space<vmem>>) dst(%dma_wait3A_45 : memref<128x128xf32, #tpu.memory_space<vmem_shared>>)
      tpu.yield
    }) : () -> ()
    %mul3A_10 = arith.constant 640 : i32
    %mul3A_11 = arith.muli %arg1, %mul3A_10 : i32
    %add3A_12 = arith.constant 128 : i32
    %add3A_13 = arith.addi %mul3A_11, %add3A_12 : i32
    "tpu.region"() ({
      %run_scoped3A = tpu.sem_alloc : memref<!tpu.dma_semaphore, #tpu.memory_space<semaphore_mem>>
      %dma_start3A = arith.constant 0 : i32
      %dma_start3A_40 = tpu.memref_slice %arg6[%add3A_13, %dma_start3A] : memref<10240x128xf32, #tpu.memory_space<vmem_shared>> -> memref<128x128xf32, #tpu.memory_space<vmem_shared>>
      %dma_start3A_41 = arith.constant 0 : i32
      %dma_start3A_42 = tpu.memref_slice %arg6[%add3A_13, %dma_start3A_41] : memref<10240x128xf32, #tpu.memory_space<vmem_shared>> -> memref<128x128xf32, #tpu.memory_space<vmem_shared>>
      tpu.enqueue_dma source(%arg7 : memref<128x128xf32, #tpu.memory_space<vmem>>) target(%dma_start3A_42 : memref<128x128xf32, #tpu.memory_space<vmem_shared>>) target_semaphore(%run_scoped3A : memref<!tpu.dma_semaphore, #tpu.memory_space<semaphore_mem>>)
      %dma_wait3A = arith.constant 0 : i32
      %dma_wait3A_43 = tpu.memref_slice %arg6[%add3A_13, %dma_wait3A] : memref<10240x128xf32, #tpu.memory_space<vmem_shared>> -> memref<128x128xf32, #tpu.memory_space<vmem_shared>>
      %dma_wait3A_44 = arith.constant 0 : i32
      %dma_wait3A_45 = tpu.memref_slice %arg6[%add3A_13, %dma_wait3A_44] : memref<10240x128xf32, #tpu.memory_space<vmem_shared>> -> memref<128x128xf32, #tpu.memory_space<vmem_shared>>
      tpu.wait_dma2 semaphore(%run_scoped3A : memref<!tpu.dma_semaphore, #tpu.memory_space<semaphore_mem>>) src(%arg7 : memref<128x128xf32, #tpu.memory_space<vmem>>) dst(%dma_wait3A_45 : memref<128x128xf32, #tpu.memory_space<vmem_shared>>)
      tpu.yield
    }) : () -> ()
    %mul3A_14 = arith.constant 640 : i32
    %mul3A_15 = arith.muli %arg1, %mul3A_14 : i32
    %add3A_16 = arith.constant 256 : i32
    %add3A_17 = arith.addi %mul3A_15, %add3A_16 : i32
    "tpu.region"() ({
      %run_scoped3A = tpu.sem_alloc : memref<!tpu.dma_semaphore, #tpu.memory_space<semaphore_mem>>
      %dma_start3A = arith.constant 0 : i32
      %dma_start3A_40 = tpu.memref_slice %arg6[%add3A_17, %dma_start3A] : memref<10240x128xf32, #tpu.memory_space<vmem_shared>> -> memref<128x128xf32, #tpu.memory_space<vmem_shared>>
      %dma_start3A_41 = arith.constant 0 : i32
      %dma_start3A_42 = tpu.memref_slice %arg6[%add3A_17, %dma_start3A_41] : memref<10240x128xf32, #tpu.memory_space<vmem_shared>> -> memref<128x128xf32, #tpu.memory_space<vmem_shared>>
      tpu.enqueue_dma source(%arg7 : memref<128x128xf32, #tpu.memory_space<vmem>>) target(%dma_start3A_42 : memref<128x128xf32, #tpu.memory_space<vmem_shared>>) target_semaphore(%run_scoped3A : memref<!tpu.dma_semaphore, #tpu.memory_space<semaphore_mem>>)
      %dma_wait3A = arith.constant 0 : i32
      %dma_wait3A_43 = tpu.memref_slice %arg6[%add3A_17, %dma_wait3A] : memref<10240x128xf32, #tpu.memory_space<vmem_shared>> -> memref<128x128xf32, #tpu.memory_space<vmem_shared>>
      %dma_wait3A_44 = arith.constant 0 : i32
      %dma_wait3A_45 = tpu.memref_slice %arg6[%add3A_17, %dma_wait3A_44] : memref<10240x128xf32, #tpu.memory_space<vmem_shared>> -> memref<128x128xf32, #tpu.memory_space<vmem_shared>>
      tpu.wait_dma2 semaphore(%run_scoped3A : memref<!tpu.dma_semaphore, #tpu.memory_space<semaphore_mem>>) src(%arg7 : memref<128x128xf32, #tpu.memory_space<vmem>>) dst(%dma_wait3A_45 : memref<128x128xf32, #tpu.memory_space<vmem_shared>>)
      tpu.yield
    }) : () -> ()
    %mul3A_18 = arith.constant 640 : i32
    %mul3A_19 = arith.muli %arg1, %mul3A_18 : i32
    %add3A_20 = arith.constant 384 : i32
    %add3A_21 = arith.addi %mul3A_19, %add3A_20 : i32
    "tpu.region"() ({
      %run_scoped3A = tpu.sem_alloc : memref<!tpu.dma_semaphore, #tpu.memory_space<semaphore_mem>>
      %dma_start3A = arith.constant 0 : i32
      %dma_start3A_40 = tpu.memref_slice %arg6[%add3A_21, %dma_start3A] : memref<10240x128xf32, #tpu.memory_space<vmem_shared>> -> memref<128x128xf32, #tpu.memory_space<vmem_shared>>
      %dma_start3A_41 = arith.constant 0 : i32
      %dma_start3A_42 = tpu.memref_slice %arg6[%add3A_21, %dma_start3A_41] : memref<10240x128xf32, #tpu.memory_space<vmem_shared>> -> memref<128x128xf32, #tpu.memory_space<vmem_shared>>
      tpu.enqueue_dma source(%arg7 : memref<128x128xf32, #tpu.memory_space<vmem>>) target(%dma_start3A_42 : memref<128x128xf32, #tpu.memory_space<vmem_shared>>) target_semaphore(%run_scoped3A : memref<!tpu.dma_semaphore, #tpu.memory_space<semaphore_mem>>)
      %dma_wait3A = arith.constant 0 : i32
      %dma_wait3A_43 = tpu.memref_slice %arg6[%add3A_21, %dma_wait3A] : memref<10240x128xf32, #tpu.memory_space<vmem_shared>> -> memref<128x128xf32, #tpu.memory_space<vmem_shared>>
      %dma_wait3A_44 = arith.constant 0 : i32
      %dma_wait3A_45 = tpu.memref_slice %arg6[%add3A_21, %dma_wait3A_44] : memref<10240x128xf32, #tpu.memory_space<vmem_shared>> -> memref<128x128xf32, #tpu.memory_space<vmem_shared>>
      tpu.wait_dma2 semaphore(%run_scoped3A : memref<!tpu.dma_semaphore, #tpu.memory_space<semaphore_mem>>) src(%arg7 : memref<128x128xf32, #tpu.memory_space<vmem>>) dst(%dma_wait3A_45 : memref<128x128xf32, #tpu.memory_space<vmem_shared>>)
      tpu.yield
    }) : () -> ()
    %mul3A_22 = arith.constant 640 : i32
    %mul3A_23 = arith.muli %arg1, %mul3A_22 : i32
    %add3A_24 = arith.constant 512 : i32
    %add3A_25 = arith.addi %mul3A_23, %add3A_24 : i32
    "tpu.region"() ({
      %run_scoped3A = tpu.sem_alloc : memref<!tpu.dma_semaphore, #tpu.memory_space<semaphore_mem>>
      %dma_start3A = arith.constant 0 : i32
      %dma_start3A_40 = tpu.memref_slice %arg6[%add3A_25, %dma_start3A] : memref<10240x128xf32, #tpu.memory_space<vmem_shared>> -> memref<128x128xf32, #tpu.memory_space<vmem_shared>>
      %dma_start3A_41 = arith.constant 0 : i32
      %dma_start3A_42 = tpu.memref_slice %arg6[%add3A_25, %dma_start3A_41] : memref<10240x128xf32, #tpu.memory_space<vmem_shared>> -> memref<128x128xf32, #tpu.memory_space<vmem_shared>>
      tpu.enqueue_dma source(%arg7 : memref<128x128xf32, #tpu.memory_space<vmem>>) target(%dma_start3A_42 : memref<128x128xf32, #tpu.memory_space<vmem_shared>>) target_semaphore(%run_scoped3A : memref<!tpu.dma_semaphore, #tpu.memory_space<semaphore_mem>>)
      %dma_wait3A = arith.constant 0 : i32
      %dma_wait3A_43 = tpu.memref_slice %arg6[%add3A_25, %dma_wait3A] : memref<10240x128xf32, #tpu.memory_space<vmem_shared>> -> memref<128x128xf32, #tpu.memory_space<vmem_shared>>
      %dma_wait3A_44 = arith.constant 0 : i32
      %dma_wait3A_45 = tpu.memref_slice %arg6[%add3A_25, %dma_wait3A_44] : memref<10240x128xf32, #tpu.memory_space<vmem_shared>> -> memref<128x128xf32, #tpu.memory_space<vmem_shared>>
      tpu.wait_dma2 semaphore(%run_scoped3A : memref<!tpu.dma_semaphore, #tpu.memory_space<semaphore_mem>>) src(%arg7 : memref<128x128xf32, #tpu.memory_space<vmem>>) dst(%dma_wait3A_45 : memref<128x128xf32, #tpu.memory_space<vmem_shared>>)
      tpu.yield
    }) : () -> ()
    %barrier3A = arith.constant 0 : index
    tpu.barrier barrier_id(%barrier3A)
    %scan3A_26 = arith.constant 0 : i32
    %scan3A_27 = arith.constant 0 : i32
    %scan3A_28 = arith.constant 79 : i32
    %scan3A_29 = arith.addi %scan3A_27, %scan3A_28 : i32
    %scan3A_30 = arith.constant 1 : i32
    scf.for %scan3A_40 = %scan3A_27 to %scan3A_29 step %scan3A_30  : i32 {
      %mul3A_41 = arith.constant 79 : i32
      %mul3A_42 = arith.muli %add3A, %mul3A_41 : i32
      %add3A_43 = arith.addi %mul3A_42, %scan3A_40 : i32
      %mul3A_44 = arith.constant 128 : i32
      %mul3A_45 = arith.muli %add3A_43, %mul3A_44 : i32
      "tpu.region"() ({
        %run_scoped3A = tpu.sem_alloc : memref<!tpu.dma_semaphore, #tpu.memory_space<semaphore_mem>>
        %dma_start3A_50 = tpu.memref_slice %arg3[%mul3A_45] : memref<323584xi32, #tpu.memory_space<hbm>> -> memref<128xi32, #tpu.memory_space<hbm>>
        %dma_start3A_51 = tpu.memref_slice %arg3[%mul3A_45] : memref<323584xi32, #tpu.memory_space<hbm>> -> memref<128xi32, #tpu.memory_space<hbm>>
        tpu.enqueue_dma source(%dma_start3A_51 : memref<128xi32, #tpu.memory_space<hbm>>) target(%arg8 : memref<128xi32, #tpu.memory_space<vmem>>) target_semaphore(%run_scoped3A : memref<!tpu.dma_semaphore, #tpu.memory_space<semaphore_mem>>)
        %dma_wait3A_52 = tpu.memref_slice %arg3[%mul3A_45] : memref<323584xi32, #tpu.memory_space<hbm>> -> memref<128xi32, #tpu.memory_space<hbm>>
        %dma_wait3A_53 = tpu.memref_slice %arg3[%mul3A_45] : memref<323584xi32, #tpu.memory_space<hbm>> -> memref<128xi32, #tpu.memory_space<hbm>>
        tpu.wait_dma2 semaphore(%run_scoped3A : memref<!tpu.dma_semaphore, #tpu.memory_space<semaphore_mem>>) src(%dma_wait3A_53 : memref<128xi32, #tpu.memory_space<hbm>>) dst(%arg8 : memref<128xi32, #tpu.memory_space<vmem>>)
        tpu.yield
      }) : () -> ()
      "tpu.region"() ({
        %run_scoped3A = tpu.sem_alloc : memref<!tpu.dma_semaphore, #tpu.memory_space<semaphore_mem>>
        %dma_start3A_50 = tpu.memref_slice %arg4[%mul3A_45] : memref<323584xi32, #tpu.memory_space<hbm>> -> memref<128xi32, #tpu.memory_space<hbm>>
        %dma_start3A_51 = tpu.memref_slice %arg4[%mul3A_45] : memref<323584xi32, #tpu.memory_space<hbm>> -> memref<128xi32, #tpu.memory_space<hbm>>
        tpu.enqueue_dma source(%dma_start3A_51 : memref<128xi32, #tpu.memory_space<hbm>>) target(%arg9 : memref<128xi32, #tpu.memory_space<vmem>>) target_semaphore(%run_scoped3A : memref<!tpu.dma_semaphore, #tpu.memory_space<semaphore_mem>>)
        %dma_wait3A_52 = tpu.memref_slice %arg4[%mul3A_45] : memref<323584xi32, #tpu.memory_space<hbm>> -> memref<128xi32, #tpu.memory_space<hbm>>
        %dma_wait3A_53 = tpu.memref_slice %arg4[%mul3A_45] : memref<323584xi32, #tpu.memory_space<hbm>> -> memref<128xi32, #tpu.memory_space<hbm>>
        tpu.wait_dma2 semaphore(%run_scoped3A : memref<!tpu.dma_semaphore, #tpu.memory_space<semaphore_mem>>) src(%dma_wait3A_53 : memref<128xi32, #tpu.memory_space<hbm>>) dst(%arg9 : memref<128xi32, #tpu.memory_space<vmem>>)
        tpu.yield
      }) : () -> ()
      %dma_start3A = arith.constant 0 : i32
      %dma_start3A_46 = arith.constant 0 : i32
      %dma_start3A_47 = tpu.memref_slice %arg2[%dma_start3A, %dma_start3A_46] : memref<10000x128xf32, #tpu.memory_space<hbm>> -> memref<10000x128xf32, #tpu.memory_space<hbm>>
      tpu.enqueue_indirect_dma source(%dma_start3A_47 : memref<10000x128xf32, #tpu.memory_space<hbm>>) target(%arg7 : memref<128x128xf32, #tpu.memory_space<vmem>>) offsets(%arg8 : memref<128xi32, #tpu.memory_space<vmem>>) semaphore(%arg10 : memref<!tpu.dma_semaphore, #tpu.memory_space<semaphore_mem>>)
      %dma_wait3A = arith.constant 0 : i32
      %dma_wait3A_48 = arith.constant 0 : i32
      %dma_wait3A_49 = tpu.memref_slice %arg2[%dma_wait3A, %dma_wait3A_48] : memref<10000x128xf32, #tpu.memory_space<hbm>> -> memref<10000x128xf32, #tpu.memory_space<hbm>>
      tpu.wait_indirect_dma semaphore(%arg10 : memref<!tpu.dma_semaphore, #tpu.memory_space<semaphore_mem>>) src(%dma_wait3A_49 : memref<10000x128xf32, #tpu.memory_space<hbm>>) dst(%arg7 : memref<128x128xf32, #tpu.memory_space<vmem>>)
      "tpu.region"() ({
        %run_scoped3A = tpu.sem_alloc : memref<!tpu.dma_semaphore, #tpu.memory_space<semaphore_mem>>
        %dma_start3A_50 = arith.constant 0 : i32
        %dma_start3A_51 = arith.constant 0 : i32
        %dma_start3A_52 = tpu.memref_slice %arg6[%dma_start3A_50, %dma_start3A_51] : memref<10240x128xf32, #tpu.memory_space<vmem_shared>> -> memref<10240x128xf32, #tpu.memory_space<vmem_shared>>
        tpu.enqueue_indirect_dma source(%arg7 : memref<128x128xf32, #tpu.memory_space<vmem>>) target(%dma_start3A_52 : memref<10240x128xf32, #tpu.memory_space<vmem_shared>>) offsets(%arg9 : memref<128xi32, #tpu.memory_space<vmem>>) semaphore(%run_scoped3A : memref<!tpu.dma_semaphore, #tpu.memory_space<semaphore_mem>>) {add = true}
        %dma_wait3A_53 = arith.constant 0 : i32
        %dma_wait3A_54 = arith.constant 0 : i32
        %dma_wait3A_55 = tpu.memref_slice %arg6[%dma_wait3A_53, %dma_wait3A_54] : memref<10240x128xf32, #tpu.memory_space<vmem_shared>> -> memref<10240x128xf32, #tpu.memory_space<vmem_shared>>
        tpu.wait_indirect_dma semaphore(%run_scoped3A : memref<!tpu.dma_semaphore, #tpu.memory_space<semaphore_mem>>) src(%arg7 : memref<128x128xf32, #tpu.memory_space<vmem>>) dst(%dma_wait3A_55 : memref<10240x128xf32, #tpu.memory_space<vmem_shared>>)
        tpu.yield
      }) : () -> ()
    }
    %scan3A_31 = arith.constant 79 : i32
    %barrier3A_32 = arith.constant 0 : index
    tpu.barrier barrier_id(%barrier3A_32)
    %mul3A_33 = arith.constant 10240 : i32
    %mul3A_34 = arith.muli %arg0, %mul3A_33 : i32
    %mul3A_35 = arith.constant 640 : i32
    %mul3A_36 = arith.muli %arg1, %mul3A_35 : i32
    %add3A_37 = arith.addi %mul3A_34, %mul3A_36 : i32
    %mul3A_38 = arith.constant 640 : i32
    %mul3A_39 = arith.muli %arg1, %mul3A_38 : i32
    "tpu.region"() ({
      %run_scoped3A = tpu.sem_alloc : memref<!tpu.dma_semaphore, #tpu.memory_space<semaphore_mem>>
      %dma_start3A = arith.constant 0 : i32
      %dma_start3A_40 = tpu.memref_slice %arg5[%add3A_37, %dma_start3A] : memref<20480x128xf32, #tpu.memory_space<hbm>> -> memref<640x128xf32, #tpu.memory_space<hbm>>
      %dma_start3A_41 = arith.constant 0 : i32
      %dma_start3A_42 = tpu.memref_slice %arg6[%mul3A_39, %dma_start3A_41] : memref<10240x128xf32, #tpu.memory_space<vmem_shared>> -> memref<640x128xf32, #tpu.memory_space<vmem_shared>>
      tpu.enqueue_dma source(%dma_start3A_42 : memref<640x128xf32, #tpu.memory_space<vmem_shared>>) target(%dma_start3A_40 : memref<640x128xf32, #tpu.memory_space<hbm>>) target_semaphore(%run_scoped3A : memref<!tpu.dma_semaphore, #tpu.memory_space<semaphore_mem>>)
      %dma_wait3A = arith.constant 0 : i32
      %dma_wait3A_43 = tpu.memref_slice %arg5[%add3A_37, %dma_wait3A] : memref<20480x128xf32, #tpu.memory_space<hbm>> -> memref<640x128xf32, #tpu.memory_space<hbm>>
      %dma_wait3A_44 = arith.constant 0 : i32
      %dma_wait3A_45 = tpu.memref_slice %arg6[%mul3A_39, %dma_wait3A_44] : memref<10240x128xf32, #tpu.memory_space<vmem_shared>> -> memref<640x128xf32, #tpu.memory_space<vmem_shared>>
      tpu.wait_dma2 semaphore(%run_scoped3A : memref<!tpu.dma_semaphore, #tpu.memory_space<semaphore_mem>>) src(%dma_wait3A_45 : memref<640x128xf32, #tpu.memory_space<vmem_shared>>) dst(%dma_wait3A_43 : memref<640x128xf32, #tpu.memory_space<hbm>>)
      tpu.yield
    }) : () -> ()
    return
  }
}

module attributes {stable_mosaic.version = 14 : i64} {
  func.func @_mm_scale_body(%arg0: i32, %arg1: memref<1000x128xf32, #tpu.memory_space<vmem>>, %arg2: memref<128x128xf32, #tpu.memory_space<vmem>>, %arg3: memref<1000x128xf32, #tpu.memory_space<vmem>>, %arg4: memref<1000x128xf32, #tpu.memory_space<vmem>>, %arg5: memref<1000x128xf32, #tpu.memory_space<vmem>>) attributes {dimension_semantics = [#tpu.dimension_semantics<arbitrary>], iteration_bounds = array<i64: 10>, scalar_prefetch = 0 : i64, scratch_operands = 0 : i64, tpu.core_type = #tpu.core_type<tc>, window_params = [{transform_indices = @transform_0, window_bounds = array<i64: 1000, 128>}, {pipeline_mode = #tpu.pipeline_mode<synchronous>, transform_indices = @transform_1, window_bounds = array<i64: 128, 128>}, {transform_indices = @transform_2, window_bounds = array<i64: 1000, 128>}, {transform_indices = @transform_3, window_bounds = array<i64: 1000, 128>}, {transform_indices = @transform_4, window_bounds = array<i64: 1000, 128>}]} {
    %get3A = arith.constant 0 : index
    %get3A_0 = arith.constant 0 : index
    %get3A_1 = vector.load %arg3[%get3A, %get3A_0] : memref<1000x128xf32, #tpu.memory_space<vmem>>, vector<1000x1xf32>
    %get3A_2 = arith.constant 0 : index
    %get3A_3 = arith.constant 0 : index
    %get3A_4 = vector.load %arg4[%get3A_2, %get3A_3] : memref<1000x128xf32, #tpu.memory_space<vmem>>, vector<1000x1xf32>
    %add3A = arith.addf %get3A_1, %get3A_4 : vector<1000x1xf32>
    %add3A_5 = arith.constant 1.000000e+00 : f32
    %add3A_6 = vector.broadcast %add3A_5 : f32 to vector<1000x1xf32>
    %add3A_7 = arith.addf %add3A, %add3A_6 : vector<1000x1xf32>
    %rsqrt3A = math.rsqrt %add3A_7 : vector<1000x1xf32>
    %get3A_8 = arith.constant 0 : index
    %get3A_9 = arith.constant 0 : index
    %get3A_10 = vector.load %arg1[%get3A_8, %get3A_9] : memref<1000x128xf32, #tpu.memory_space<vmem>>, vector<1000x128xf32>
    %get3A_11 = arith.constant 0 : index
    %get3A_12 = arith.constant 0 : index
    %get3A_13 = vector.load %arg2[%get3A_11, %get3A_12] : memref<128x128xf32, #tpu.memory_space<vmem>>, vector<128x128xf32>
    %dot_general3A = arith.constant dense<0.000000e+00> : vector<1000x128xf32>
    %dot_general3A_14 = tpu.matmul %get3A_10, %get3A_13, %dot_general3A {dimension_numbers = #tpu.dot_dimension_numbers<[1], [0], [0], [1], [0, 0, 1, 1], [], []>, transpose_lhs_hint = false} : vector<1000x128xf32>, vector<128x128xf32>, vector<1000x128xf32> -> vector<1000x128xf32>
    %mul3A = vector.broadcast %rsqrt3A : vector<1000x1xf32> to vector<1000x128xf32>
    %mul3A_15 = arith.mulf %dot_general3A_14, %mul3A : vector<1000x128xf32>
    %swap3A = arith.constant 0 : index
    %swap3A_16 = arith.constant 0 : index
    %swap3A_17 = vector.load %arg5[%swap3A, %swap3A_16] : memref<1000x128xf32, #tpu.memory_space<vmem>>, vector<1000x128xf32>
    tpu.vector_store %arg5[%swap3A, %swap3A_16], %mul3A_15 {strides = array<i32>} : memref<1000x128xf32, #tpu.memory_space<vmem>>, vector<1000x128xf32>,
    return
  }
  func.func @transform_0(%arg0: i32) -> (i32, i32) {
    %c0_i32 = arith.constant 0 : i32
    %c0_i32_0 = arith.constant 0 : i32
    return %arg0, %c0_i32 : i32, i32
  }
  func.func @transform_1(%arg0: i32) -> (i32, i32) {
    %c0_i32 = arith.constant 0 : i32
    %c0_i32_0 = arith.constant 0 : i32
    %c0_i32_1 = arith.constant 0 : i32
    return %c0_i32, %c0_i32_0 : i32, i32
  }
  func.func @transform_2(%arg0: i32) -> (i32, i32) {
    %c0_i32 = arith.constant 0 : i32
    %c0_i32_0 = arith.constant 0 : i32
    return %arg0, %c0_i32 : i32, i32
  }
  func.func @transform_3(%arg0: i32) -> (i32, i32) {
    %c0_i32 = arith.constant 0 : i32
    %c0_i32_0 = arith.constant 0 : i32
    return %arg0, %c0_i32 : i32, i32
  }
  func.func @transform_4(%arg0: i32) -> (i32, i32) {
    %c0_i32 = arith.constant 0 : i32
    %c0_i32_0 = arith.constant 0 : i32
    return %arg0, %c0_i32 : i32, i32
  }
}

module attributes {stable_mosaic.version = 14 : i64} {
  func.func @_mid_body(%arg0: i32, %arg1: memref<1000x128xf32, #tpu.memory_space<vmem>>, %arg2: memref<1000x128xf32, #tpu.memory_space<vmem>>, %arg3: memref<1000x128xf32, #tpu.memory_space<vmem>>, %arg4: memref<1000x128xf32, #tpu.memory_space<vmem>>, %arg5: memref<1000x128xf32, #tpu.memory_space<vmem>>, %arg6: memref<1x128xf32, #tpu.memory_space<vmem>>, %arg7: memref<128x128xf32, #tpu.memory_space<vmem>>, %arg8: memref<1000x128xf32, #tpu.memory_space<vmem>>, %arg9: memref<1000x128xf32, #tpu.memory_space<vmem>>) attributes {dimension_semantics = [#tpu.dimension_semantics<arbitrary>], iteration_bounds = array<i64: 10>, scalar_prefetch = 0 : i64, scratch_operands = 0 : i64, tpu.core_type = #tpu.core_type<tc>, window_params = [{transform_indices = @transform_0, window_bounds = array<i64: 1000, 128>}, {transform_indices = @transform_1, window_bounds = array<i64: 1000, 128>}, {transform_indices = @transform_2, window_bounds = array<i64: 1000, 128>}, {transform_indices = @transform_3, window_bounds = array<i64: 1000, 128>}, {transform_indices = @transform_4, window_bounds = array<i64: 1000, 128>}, {pipeline_mode = #tpu.pipeline_mode<synchronous>, transform_indices = @transform_5, window_bounds = array<i64: 1, 128>}, {pipeline_mode = #tpu.pipeline_mode<synchronous>, transform_indices = @transform_6, window_bounds = array<i64: 128, 128>}, {transform_indices = @transform_7, window_bounds = array<i64: 1000, 128>}, {transform_indices = @transform_8, window_bounds = array<i64: 1000, 128>}]} {
    %get3A = arith.constant 0 : index
    %get3A_0 = arith.constant 0 : index
    %get3A_1 = vector.load %arg4[%get3A, %get3A_0] : memref<1000x128xf32, #tpu.memory_space<vmem>>, vector<1000x1xf32>
    %get3A_2 = arith.constant 0 : index
    %get3A_3 = arith.constant 0 : index
    %get3A_4 = vector.load %arg5[%get3A_2, %get3A_3] : memref<1000x128xf32, #tpu.memory_space<vmem>>, vector<1000x1xf32>
    %add3A = arith.addf %get3A_1, %get3A_4 : vector<1000x1xf32>
    %add3A_5 = arith.constant 1.000000e+00 : f32
    %add3A_6 = vector.broadcast %add3A_5 : f32 to vector<1000x1xf32>
    %add3A_7 = arith.addf %add3A, %add3A_6 : vector<1000x1xf32>
    %rsqrt3A = math.rsqrt %add3A_7 : vector<1000x1xf32>
    %get3A_8 = arith.constant 0 : index
    %get3A_9 = arith.constant 0 : index
    %get3A_10 = vector.load %arg1[%get3A_8, %get3A_9] : memref<1000x128xf32, #tpu.memory_space<vmem>>, vector<1000x128xf32>
    %get3A_11 = arith.constant 0 : index
    %get3A_12 = arith.constant 0 : index
    %get3A_13 = vector.load %arg2[%get3A_11, %get3A_12] : memref<1000x128xf32, #tpu.memory_space<vmem>>, vector<1000x128xf32>
    %add3A_14 = arith.addf %get3A_10, %get3A_13 : vector<1000x128xf32>
    %get3A_15 = arith.constant 0 : index
    %get3A_16 = arith.constant 0 : index
    %get3A_17 = vector.load %arg3[%get3A_15, %get3A_16] : memref<1000x128xf32, #tpu.memory_space<vmem>>, vector<1000x128xf32>
    %add3A_18 = arith.addf %add3A_14, %get3A_17 : vector<1000x128xf32>
    %mul3A = vector.broadcast %rsqrt3A : vector<1000x1xf32> to vector<1000x128xf32>
    %mul3A_19 = arith.mulf %add3A_18, %mul3A : vector<1000x128xf32>
    %get3A_20 = arith.constant 0 : index
    %get3A_21 = arith.constant 0 : index
    %get3A_22 = vector.load %arg6[%get3A_20, %get3A_21] : memref<1x128xf32, #tpu.memory_space<vmem>>, vector<1x128xf32>
    %add3A_23 = vector.broadcast %get3A_22 : vector<1x128xf32> to vector<1000x128xf32>
    %add3A_24 = arith.addf %mul3A_19, %add3A_23 : vector<1000x128xf32>
    %tanh3A = math.tanh %add3A_24 : vector<1000x128xf32>
    %swap3A = arith.constant 0 : index
    %swap3A_25 = arith.constant 0 : index
    %swap3A_26 = vector.load %arg8[%swap3A, %swap3A_25] : memref<1000x128xf32, #tpu.memory_space<vmem>>, vector<1000x128xf32>
    tpu.vector_store %arg8[%swap3A, %swap3A_25], %tanh3A {strides = array<i32>} : memref<1000x128xf32, #tpu.memory_space<vmem>>, vector<1000x128xf32>,
    %get3A_27 = arith.constant 0 : index
    %get3A_28 = arith.constant 0 : index
    %get3A_29 = vector.load %arg7[%get3A_27, %get3A_28] : memref<128x128xf32, #tpu.memory_space<vmem>>, vector<128x128xf32>
    %dot_general3A = arith.constant dense<0.000000e+00> : vector<1000x128xf32>
    %dot_general3A_30 = tpu.matmul %tanh3A, %get3A_29, %dot_general3A {dimension_numbers = #tpu.dot_dimension_numbers<[1], [0], [0], [1], [0, 0, 1, 1], [], []>, transpose_lhs_hint = false} : vector<1000x128xf32>, vector<128x128xf32>, vector<1000x128xf32> -> vector<1000x128xf32>
    %mul3A_31 = vector.broadcast %rsqrt3A : vector<1000x1xf32> to vector<1000x128xf32>
    %mul3A_32 = arith.mulf %dot_general3A_30, %mul3A_31 : vector<1000x128xf32>
    %swap3A_33 = arith.constant 0 : index
    %swap3A_34 = arith.constant 0 : index
    %swap3A_35 = vector.load %arg9[%swap3A_33, %swap3A_34] : memref<1000x128xf32, #tpu.memory_space<vmem>>, vector<1000x128xf32>
    tpu.vector_store %arg9[%swap3A_33, %swap3A_34], %mul3A_32 {strides = array<i32>} : memref<1000x128xf32, #tpu.memory_space<vmem>>, vector<1000x128xf32>,
    return
  }
  func.func @transform_0(%arg0: i32) -> (i32, i32) {
    %c0_i32 = arith.constant 0 : i32
    %c0_i32_0 = arith.constant 0 : i32
    return %arg0, %c0_i32 : i32, i32
  }
  func.func @transform_1(%arg0: i32) -> (i32, i32) {
    %c0_i32 = arith.constant 0 : i32
    %c0_i32_0 = arith.constant 0 : i32
    return %arg0, %c0_i32 : i32, i32
  }
  func.func @transform_2(%arg0: i32) -> (i32, i32) {
    %c0_i32 = arith.constant 0 : i32
    %c0_i32_0 = arith.constant 0 : i32
    return %arg0, %c0_i32 : i32, i32
  }
  func.func @transform_3(%arg0: i32) -> (i32, i32) {
    %c0_i32 = arith.constant 0 : i32
    %c0_i32_0 = arith.constant 0 : i32
    return %arg0, %c0_i32 : i32, i32
  }
  func.func @transform_4(%arg0: i32) -> (i32, i32) {
    %c0_i32 = arith.constant 0 : i32
    %c0_i32_0 = arith.constant 0 : i32
    return %arg0, %c0_i32 : i32, i32
  }
  func.func @transform_5(%arg0: i32) -> (i32, i32) {
    %c0_i32 = arith.constant 0 : i32
    %c0_i32_0 = arith.constant 0 : i32
    %c0_i32_1 = arith.constant 0 : i32
    return %c0_i32, %c0_i32_0 : i32, i32
  }
  func.func @transform_6(%arg0: i32) -> (i32, i32) {
    %c0_i32 = arith.constant 0 : i32
    %c0_i32_0 = arith.constant 0 : i32
    %c0_i32_1 = arith.constant 0 : i32
    return %c0_i32, %c0_i32_0 : i32, i32
  }
  func.func @transform_7(%arg0: i32) -> (i32, i32) {
    %c0_i32 = arith.constant 0 : i32
    %c0_i32_0 = arith.constant 0 : i32
    return %arg0, %c0_i32 : i32, i32
  }
  func.func @transform_8(%arg0: i32) -> (i32, i32) {
    %c0_i32 = arith.constant 0 : i32
    %c0_i32_0 = arith.constant 0 : i32
    return %arg0, %c0_i32 : i32, i32
  }
}

module attributes {stable_mosaic.version = 14 : i64} {
  func.func @_final_body(%arg0: i32, %arg1: memref<1000x128xf32, #tpu.memory_space<vmem>>, %arg2: memref<1000x128xf32, #tpu.memory_space<vmem>>, %arg3: memref<1000x128xf32, #tpu.memory_space<vmem>>, %arg4: memref<1000x128xf32, #tpu.memory_space<vmem>>, %arg5: memref<1000x128xf32, #tpu.memory_space<vmem>>, %arg6: memref<1x128xf32, #tpu.memory_space<vmem>>, %arg7: memref<1000x128xf32, #tpu.memory_space<vmem>>) attributes {dimension_semantics = [#tpu.dimension_semantics<arbitrary>], iteration_bounds = array<i64: 10>, scalar_prefetch = 0 : i64, scratch_operands = 0 : i64, tpu.core_type = #tpu.core_type<tc>, window_params = [{transform_indices = @transform_0, window_bounds = array<i64: 1000, 128>}, {transform_indices = @transform_1, window_bounds = array<i64: 1000, 128>}, {transform_indices = @transform_2, window_bounds = array<i64: 1000, 128>}, {transform_indices = @transform_3, window_bounds = array<i64: 1000, 128>}, {transform_indices = @transform_4, window_bounds = array<i64: 1000, 128>}, {pipeline_mode = #tpu.pipeline_mode<synchronous>, transform_indices = @transform_5, window_bounds = array<i64: 1, 128>}, {transform_indices = @transform_6, window_bounds = array<i64: 1000, 128>}]} {
    %get3A = arith.constant 0 : index
    %get3A_0 = arith.constant 0 : index
    %get3A_1 = vector.load %arg4[%get3A, %get3A_0] : memref<1000x128xf32, #tpu.memory_space<vmem>>, vector<1000x1xf32>
    %get3A_2 = arith.constant 0 : index
    %get3A_3 = arith.constant 0 : index
    %get3A_4 = vector.load %arg5[%get3A_2, %get3A_3] : memref<1000x128xf32, #tpu.memory_space<vmem>>, vector<1000x1xf32>
    %add3A = arith.addf %get3A_1, %get3A_4 : vector<1000x1xf32>
    %add3A_5 = arith.constant 1.000000e+00 : f32
    %add3A_6 = vector.broadcast %add3A_5 : f32 to vector<1000x1xf32>
    %add3A_7 = arith.addf %add3A, %add3A_6 : vector<1000x1xf32>
    %rsqrt3A = math.rsqrt %add3A_7 : vector<1000x1xf32>
    %get3A_8 = arith.constant 0 : index
    %get3A_9 = arith.constant 0 : index
    %get3A_10 = vector.load %arg1[%get3A_8, %get3A_9] : memref<1000x128xf32, #tpu.memory_space<vmem>>, vector<1000x128xf32>
    %get3A_11 = arith.constant 0 : index
    %get3A_12 = arith.constant 0 : index
    %get3A_13 = vector.load %arg2[%get3A_11, %get3A_12] : memref<1000x128xf32, #tpu.memory_space<vmem>>, vector<1000x128xf32>
    %add3A_14 = arith.addf %get3A_10, %get3A_13 : vector<1000x128xf32>
    %get3A_15 = arith.constant 0 : index
    %get3A_16 = arith.constant 0 : index
    %get3A_17 = vector.load %arg3[%get3A_15, %get3A_16] : memref<1000x128xf32, #tpu.memory_space<vmem>>, vector<1000x128xf32>
    %add3A_18 = arith.addf %add3A_14, %get3A_17 : vector<1000x128xf32>
    %mul3A = vector.broadcast %rsqrt3A : vector<1000x1xf32> to vector<1000x128xf32>
    %mul3A_19 = arith.mulf %add3A_18, %mul3A : vector<1000x128xf32>
    %get3A_20 = arith.constant 0 : index
    %get3A_21 = arith.constant 0 : index
    %get3A_22 = vector.load %arg6[%get3A_20, %get3A_21] : memref<1x128xf32, #tpu.memory_space<vmem>>, vector<1x128xf32>
    %add3A_23 = vector.broadcast %get3A_22 : vector<1x128xf32> to vector<1000x128xf32>
    %add3A_24 = arith.addf %mul3A_19, %add3A_23 : vector<1000x128xf32>
    %swap3A = arith.constant 0 : index
    %swap3A_25 = arith.constant 0 : index
    %swap3A_26 = vector.load %arg7[%swap3A, %swap3A_25] : memref<1000x128xf32, #tpu.memory_space<vmem>>, vector<1000x128xf32>
    tpu.vector_store %arg7[%swap3A, %swap3A_25], %add3A_24 {strides = array<i32>} : memref<1000x128xf32, #tpu.memory_space<vmem>>, vector<1000x128xf32>,
    return
  }
  func.func @transform_0(%arg0: i32) -> (i32, i32) {
    %c0_i32 = arith.constant 0 : i32
    %c0_i32_0 = arith.constant 0 : i32
    return %arg0, %c0_i32 : i32, i32
  }
  func.func @transform_1(%arg0: i32) -> (i32, i32) {
    %c0_i32 = arith.constant 0 : i32
    %c0_i32_0 = arith.constant 0 : i32
    return %arg0, %c0_i32 : i32, i32
  }
  func.func @transform_2(%arg0: i32) -> (i32, i32) {
    %c0_i32 = arith.constant 0 : i32
    %c0_i32_0 = arith.constant 0 : i32
    return %arg0, %c0_i32 : i32, i32
  }
  func.func @transform_3(%arg0: i32) -> (i32, i32) {
    %c0_i32 = arith.constant 0 : i32
    %c0_i32_0 = arith.constant 0 : i32
    return %arg0, %c0_i32 : i32, i32
  }
  func.func @transform_4(%arg0: i32) -> (i32, i32) {
    %c0_i32 = arith.constant 0 : i32
    %c0_i32_0 = arith.constant 0 : i32
    return %arg0, %c0_i32 : i32, i32
  }
  func.func @transform_5(%arg0: i32) -> (i32, i32) {
    %c0_i32 = arith.constant 0 : i32
    %c0_i32_0 = arith.constant 0 : i32
    %c0_i32_1 = arith.constant 0 : i32
    return %c0_i32, %c0_i32_0 : i32, i32
  }
  func.func @transform_6(%arg0: i32) -> (i32, i32) {
    %c0_i32 = arith.constant 0 : i32
    %c0_i32_0 = arith.constant 0 : i32
    return %arg0, %c0_i32 : i32, i32
  }
}

</mosaic_0001>

<sc_bundles>
// kernel: kernel.11.cloned.1.call-start
scs
__scs_entry_jumppad:
0x0: {  	(pc) =	sbr.rel $0x88, $3  }
0x1: {  	(tag) =	ssettag $0x0;
	lr =	simm.s32 $0x1  }
0x2: {  	[smem:$0x3F9B] =	sst lr;
	_ =	strace $0xD0000000  }
0x3: {  	_ = 	snop  }
0x4: {  	_ = 	snop  }
0x5: {  	_ = 	snop  }
0x6: {  	_ = 	snop  }
0x7: {  	_ = 	snop  }
__scs_overlays_trampoline_lowered:
0x8: {  	[smem:$0x3FAA] =	sst s0  }
0x9: {  	[smem:$0x3FAB] =	sst s1  }
0xa: {  	[smem:$0x3FAC] =	sst s2  }
0xb: {  	[smem:$0x3FAD] =	sst s3  }
0xc: {  	[smem:$0x3FAE] =	sst s4  }
0xd: {  	[smem:$0x3FAF] =	sst s5  }
0xe: {  	[smem:$0x3FB0] =	sst s6  }
0xf: {  	[smem:$0x3FB1] =	sst s7  }
0x10: {  	[smem:$0x3FB2] =	sst s8  }
0x11: {  	[smem:$0x3FB3] =	sst s9;
	s0 =	simm.s32 @!p0 $0x0  }
0x12: {  	s1 =	sld [smem:$0x3F99];
	s0 =	simm.s32 @p0 $0x1  }
0x13: {  	[smem:$0x3FB4] =	sst s0;
	s0 =	simm.s32 @!p1 $0x0  }
0x14: {  	s2 =	sld [smem:$0x3F98];
	s0 =	simm.s32 @p1 $0x1  }
0x15: {  	[smem:$0x3FB5] =	sst s0;
	s0 =	simm.s32 @!p2 $0x0  }
0x16: {  	s3 =	sld [smem:$0x3FDB];
	s0 =	simm.s32 @p2 $0x1  }
0x17: {  	s4 =	simm.s32 $0x1BF5;
	[smem:$0x3FB7] =	sst s0  }
0x18: {  	s0 =	sld [smem:$0x3F9A];
	_ =	swait.ge [sflag:s4], $0x0  }
0x19: {  	s7 =	sld [smem:$0x3F9B]  }
0x1a: {  	s8 =	sadd.s32 $0xFFFFE003, lr  }
0x1b: {  	s9 =	sadd.s32 $0xFFFFFEF7, lr;
	s5 =	simm.s32 $0xFFFFFFFF;
	p2 =	slt.u32 s8, $0xFFFFF086  }
0x1c: {  	p1 =	slt.u32 s9, $0xF7A;
	s5 =	simm.s32 @!p2 $0x0  }
0x1d: {  	s5 =	simm.s32 @p1 $0x1;
	p0 =	seq.s32 s7, s2  }
0x1e: {  	s7 =	smul.u32 @!p0 $0xF7A, s2;
	p2 =	seq.s32 @!p0 s5, $0x0  }
0x1f: {  	s9 =	smul.u32 $0xF7A, s1;
	s8 =	simm.s32 @!p0 $0x1BF5;
	p2 =	por !p2, p0  }
0x20: {  	[sflag:s8] =	ssyncset.s32 @!p0 $0xFFFFF086;
	s6 =	sadd.s32 @!p0 s3, s7;
	s7 =	simm.s32 @!p0 $0x108  }
0x21: {  	s3 =	sadd.s32 s3, s9;
	s6 =	sadd.s32 @!p0 $0x88, s6;
	s7 =	simm.s32 @p2 $0x1082  }
0x22: {  	[simem:s7], [sflag:s8] =	dma.local @!p0 [hbm:s6], $0xF7A  }
0x23: {  	s9 =	sor.u32 $0xD0000000, s2;
	s6 =	simm.s32 $0x108;
	_ =	swait.ge @!p0 [sflag:s8], $0x0  }
0x24: {  	s3 =	sadd.s32 $0x88, s3;
	s6 =	simm.s32 @!p1 $0x1082;
	[sflag:s4] =	ssyncset.s32 $0xFFFFF086  }
0x25: {  	[simem:s6], [sflag:s4] =	dma.local [hbm:s3], $0xF7A  }
0x26: {  	[smem:$0x3F9B] =	sst s1;
	(tag) =	ssettag s2;
	_ =	strace s9  }
0x27: {  	s1 =	sld [smem:$0x3FAB]  }
0x28: {  	s2 =	sld [smem:$0x3FAC]  }
0x29: {  	s4 =	sld [smem:$0x3FAE]  }
0x2a: {  	p0 =	seq.s32 s5, $0x0;
	s5 =	sld [smem:$0x3FAF]  }
0x2b: {  	s6 =	sld [smem:$0x3FB0]  }
0x2c: {  	s7 =	sld [smem:$0x3FB1]  }
0x2d: {  	s3 =	simm.s32 $0x108;
	s8 =	sld [smem:$0x3FB2]  }
0x2e: {  	s3 =	simm.s32 @!p0 $0x1082;
	s9 =	sld [smem:$0x3FB3]  }
0x2f: {  	lr =	sadd.s32 s0, s3;
	s0 =	sld [smem:$0x3FAA]  }
0x30: {  	s3 =	sld [smem:$0x3FAD]  }
0x31: {  	[smem:$0x3FB6] =	sst s10  }
0x32: {  	s10 =	sld [smem:$0x3FB4];
	_ =	sdelay $0x3  }
0x33: {  	p0 =	seq.s32 s10, $0x1;
	s10 =	sld [smem:$0x3FB6];
	_ =	sdelay $0x3  }
0x34: {  	[smem:$0x3FB6] =	sst s10  }
0x35: {  	s10 =	sld [smem:$0x3FB5];
	_ =	sdelay $0x3  }
0x36: {  	p1 =	seq.s32 s10, $0x1;
	s10 =	sld [smem:$0x3FB6];
	_ =	sdelay $0x3  }
0x37: {  	[smem:$0x3FB6] =	sst s10  }
0x38: {  	s10 =	sld [smem:$0x3FB7]  }
0x39: {  	_ = 	snop;
	(pc) =	sbr.ind lr, $3  }
0x3a: {  	_ = 	snop  }
0x3b: {  	_ = 	snop  }
0x3c: {  	p2 =	seq.s32 s10, $0x1;
	s10 =	sld [smem:$0x3FB6]  }
0x3d: {  	_ =	shalt  }
0x3e: {  	_ =	shalt  }
0x3f: {  	_ =	shalt  }
0x40: {  	_ =	shalt  }
0x41: {  	_ =	shalt  }
0x42: {  	_ =	shalt  }
0x43: {  	_ =	shalt  }
0x44: {  	_ =	shalt  }
0x45: {  	_ =	shalt  }
0x46: {  	_ =	shalt  }
0x47: {  	_ =	shalt  }
0x48: {  	_ =	shalt  }
0x49: {  	_ =	shalt  }
0x4a: {  	_ =	shalt  }
0x4b: {  	_ =	shalt  }
0x4c: {  	_ =	shalt  }
0x4d: {  	_ =	shalt  }
0x4e: {  	_ =	shalt  }
0x4f: {  	_ =	shalt  }
0x50: {  	_ =	shalt  }
0x51: {  	_ =	shalt  }
0x52: {  	_ =	shalt  }
0x53: {  	_ =	shalt  }
0x54: {  	_ =	shalt  }
0x55: {  	_ =	shalt  }
0x56: {  	_ =	shalt  }
0x57: {  	_ =	shalt  }
0x58: {  	_ =	shalt  }
0x59: {  	_ =	shalt  }
0x5a: {  	_ =	shalt  }
0x5b: {  	_ =	shalt  }
0x5c: {  	_ =	shalt  }
0x5d: {  	_ =	shalt  }
0x5e: {  	_ =	shalt  }
0x5f: {  	_ =	shalt  }
0x60: {  	_ =	shalt  }
0x61: {  	_ =	shalt  }
0x62: {  	_ =	shalt  }
0x63: {  	_ =	shalt  }
0x64: {  	_ =	shalt  }
0x65: {  	_ =	shalt  }
0x66: {  	_ =	shalt  }
0x67: {  	_ =	shalt  }
0x68: {  	_ =	shalt  }
0x69: {  	_ =	shalt  }
0x6a: {  	_ =	shalt  }
0x6b: {  	_ =	shalt  }
0x6c: {  	_ =	shalt  }
0x6d: {  	_ =	shalt  }
0x6e: {  	_ =	shalt  }
0x6f: {  	_ =	shalt  }
0x70: {  	_ =	shalt  }
0x71: {  	_ =	shalt  }
0x72: {  	_ =	shalt  }
0x73: {  	_ =	shalt  }
0x74: {  	_ =	shalt  }
0x75: {  	_ =	shalt  }
0x76: {  	_ =	shalt  }
0x77: {  	_ =	shalt  }
0x78: {  	_ =	shalt  }
0x79: {  	_ =	shalt  }
0x7a: {  	_ =	shalt  }
0x7b: {  	_ =	shalt  }
0x7c: {  	_ =	shalt  }
0x7d: {  	_ =	shalt  }
0x7e: {  	_ =	shalt  }
0x7f: {  	_ =	shalt  }
0x80: {  	_ =	shalt  }
0x81: {  	_ =	shalt  }
0x82: {  	_ =	shalt  }
0x83: {  	_ =	shalt  }
0x84: {  	_ =	shalt  }
0x85: {  	_ =	shalt  }
0x86: {  	_ =	shalt  }
0x87: {  	_ =	shalt  }
.Lfunc_end0:
.L_simem_size_0:
called_computation.1_lowered:
.L_overlay_start_0:
0x88: {  	s2 =	sld [smem:$0x3FD9]  }
0x89: {  	s3 =	sld [smem:$0x3FFE];
	_ =	sdelay $0x1  }
0x8a: {  	s1 =	srdreg.scid  }
0x8b: {  	s0 =	sand.u32 $0x1, s1  }
0x8c: {  	s14 =	sshll.u32 s0, $0xA;
	s2 =	sadd.s32 s3, s2  }
0x8d: {  	s2 =	sadd.s32 s2, s14  }
0x8e: {  	[smem:$0x3FC2] =	sst s2  }
0x8f: {  	_ = 	snop  }
0x90: {  	s2 =	sld [smem:$0x3FD0];
	_ =	sdelay $0x2  }
0x91: {  	s15 =	simm.s32 $0xA;
	s4 =	simm.s32 $0x10  }
0x92: {  	[smem:s4], [sflag:s15] =	dma.local [hbm:s2], $0x1  }
0x93: {  	_ =	swait.eq [sflag:s15], $0x1  }
0x94: {  	[sflag:s15] =	ssyncset.done $0x0  }
0x95: {  	[sflag:s15] =	ssyncadd.s32 $0xFFFFFFFF  }
0x96: {  	s16 =	sld [smem:$0x11];
	(tm) =	ssettm $0x1  }
0x97: {  	s17 =	sld [smem:$0x3FFB];
	_ =	sdelay $0x3  }
0x98: {  	_ =	strace s17  }
0x99: {  	s3 =	sld [smem:$0x3FFC];
	_ =	sdelay $0x3  }
0x9a: {  	_ =	strace s3  }
0x9b: {  	s3 =	sld [smem:$0x3FFD];
	_ =	sdelay $0x3  }
0x9c: {  	_ =	strace s3  }
0x9d: {  	_ =	strace $0x8FFFFFFF  }
0x9e: {  	s18 =	sld [smem:$0x3FDB];
	_ =	sdelay $0x1  }
0x9f: {  	s19 =	simm.s32 $_scs_section_size  }
0xa0: {  	s5 =	simm.s32 $_size__tile_overlayer_lowered;
	s6 =	simm.s32 $_tile_overlayer_lowered  }
0xa1: {  	s22 =	simm.s32 $0x1BFF;
	s21 =	sshll.u32 s6, $0x1;
	s3 =	sadd.s32 s19, s18  }
0xa2: {  	s7 =	simm.s32 $0x0;
	s20 =	sshll.u32 s5, $0x1;
	s5 =	sadd.s32 s21, s3  }
0xa3: {  	[timem:s7], [sflag:s22] =	dma.local [hbm:s5], s20  }
0xa4: {  	_ =	swait.ge [sflag:s22], s20  }
0xa5: {  	s4 =	ssub.s32 $0x0, s20;
	[sflag:s22] =	ssyncset.done $0x0  }
0xa6: {  	[sflag:s22] =	ssyncadd.s32 s4;
	_ =	sdelay $0x1  }
0xa7: {  	s23 =	simm.s32 $0x1B8B  }
0xa8: {  	_ =	swait.ge [sflag:s23], $0x1  }
0xa9: {  	[sflag:s23] =	ssyncset.done $0x0  }
0xaa: {  	s25 =	simm.s32 $0x1B8E;
	s24 =	sld [smem:$0x3FFE];
	[sflag:s23] =	ssyncadd.s32 $0xFFFFFFFF  }
0xab: {  	s26 =	simm.s32 $execute0_lowered;
	[smem:$0x3FD2] =	sst s25  }
0xac: {  	s5 =	sshll.u32 s26, $0x1;
	_ =	strace $0x80000049;
	[dreg:$0x1] =	wrdreg $0xFFFFFFFF  }
0xad: {  	s28 =	simm.s32 $_size_execute0_lowered;
	s3 =	sadd.s32 s3, s5;
	[dreg:$0x0] =	wrdreg $0x0  }
0xae: {  	s5 =	sshll.u32 s28, $0x1;
	[dreg:$0x2] =	wrdreg s3  }
0xaf: {  	[dreg:$0x3] =	wrdreg s5  }
0xb0: {  	[dreg:$0x4] =	wrdreg $0xC0  }
0xb1: {  	_ =	task [dreg:s7], $0x5FFFF  }
0xb2: {  	[dreg:$0x1] =	wrdreg $0xFFFFFFFF  }
0xb3: {  	[dreg:$0x0] =	wrdreg $0x60  }
0xb4: {  	[dreg:$0x2] =	wrdreg s16  }
0xb5: {  	[dreg:$0x3] =	wrdreg s24  }
0xb6: {  	[dreg:$0x4] =	wrdreg $0x0  }
0xb7: {  	[dreg:$0x5] =	wrdreg $0x9  }
0xb8: {  	_ =	task.clear_ibuf [dreg:s7], $0x6FFFF;
	_ =	strace $0x90000049  }
0xb9: {  	s29 =	simm.s32 $0x9;
	_ =	strace $0x8000004B  }
0xba: {  	_ =	swait.ge [sflag:s29], $0x1  }
0xbb: {  	[sflag:s29] =	ssyncadd.s32 $0xFFFFFFFF  }
0xbc: {  	_ =	strace $0x9000004B  }
0xbd: {  	_ =	sfence  }
0xbe: {  	s30 =	sld [smem:$0x0];
	_ =	sdelay $0x2  }
0xbf: {  	s31 =	sshll.u32 s1, $0xD;
	s1 =	sshrl.u32 s1, $0x2  }
0xc0: {  	s3 =	sand.u32 $0x4000, s31;
	s1 =	sadd.s32 s1, s30  }
0xc1: {  	s0 =	sor.u32 s3, s0;
	s1 =	sshll.u32 s1, $0x11  }
0xc2: {  	s0 =	sor.u32 s1, s0  }
0xc3: {  	s0 =	sadd.s32 $0x8F2B, s0  }
0xc4: {  	[sflag:s0] =	ssyncadd.remote.s32 $0x1  }
0xc5: {  	_ =	sfence.sel $0xFFFF  }
0xc6: {  	[dreg:$0x0] =	wrdreg $0xFFFFFFFF;
	(pc) =	sbr.abs _section_cstart, $3  }
0xc7: {  	[dreg:$0x1] =	wrdreg $0xFFFFFFFF  }
0xc8: {  	_ =	task.clear_ibuf [dreg:s7], $0x2FFFF;
	_ =	strace $0x9FFFFFFF  }
0xc9: {  	(tm) =	ssettm $0x7FFFFFFF  }
tec
execute0_lowered:
.L_overlay_start_1:
0x0: {  	(tag) =	ssettag $0x1  }
0x1: {  	s0 =	rddreg [dreg:$0x0]  }
0x2: {  	s5 =	rddreg [dreg:$0x1];
	s1 =	srdreg.scid  }
0x3: {  	s3 =	rddreg [dreg:$0x2];
	s2 =	stileid.u32  }
0x4: {  	s4 =	simm.s32 $0x0;
	s15 =	simm.s32 $0x2;
	s16 =	simm.s32 $0x18000  }
0x5: {  	s17 =	simm.s32 $0x18080;
	s18 =	simm.s32 $0x80;
	s8 =	smul.u32 $0x2800, s2  }
0x6: {  	s19 =	simm.s32 $0x1;
	s21 =	simm.s32 $0x0;
	s10 =	smul.u32 $0x50000, s2  }
0x7: {  	s6 =	sand.u32 $0x1, s1;
	s1 =	rddreg [dreg:$0x3];
	s14 =	smul.u32 $0x4F0, s2  }
0x8: {  	[smem:$0x7FF] =	sst s4;
	s20 =	sshll.u32 s2, $0x6;
	s7 =	smul.u32 $0x4F00, s6  }
0x9: {  	s9 =	smul.u32 $0x28000, s6;
	_ =	strace $0x8000004A;
	s6 =	ssub.s32 $0x2, s6  }
0xa: {  	s20 =	sor.u32 $0x1C02, s20;
	s30 =	sshrl.u32 s6, $0x1;
	s31 =	sshrl.u32 s10, $0x2  }
0xb: {  	s11 =	sadd.s32 s7, s5;
	s29 =	sadd.s32 s8, s9;
	s13 =	ssub.s32 s6, s30  }
0xc: {  	s12 =	sadd.s32 s29, s5;
	s5 =	sadd.s32 s31, s3;
	s14 =	sadd.s32 s14, s11  }
0xd: {  	s11 =	smax.u32 s13, $0x1;
	s6 =	sadd.s32 $0x4000, s5;
	s7 =	sadd.s32 $0x8000, s5  }
0xe: {  	s8 =	sadd.s32 $0xC000, s5;
	s9 =	sadd.s32 $0x10000, s5;
	s10 =	sadd.s32 $0x65600, s12  }
0xf: {  	v0 =	vimm.f32 $0.0e+00;
	s12 =	sadd.s32 $0x3600, s14;
	s13 =	sadd.s32 $0xD400, s14;
	s14 =	simm.s32 $0x14000  }
.LBB2_1:
0x10: {  	s22 =	sand.u32 $0xFE00, s4  }
0x11: {  	s23 =	sand.u32 $0x70, s4;
	s24 =	sshrl.u32 s22, $0x2  }
0x12: {  	s22 =	simm.s32 $0x40;
	s24 =	sor.u32 s23, s24;
	s23 =	simm.s32 $0x0  }
.LBB2_2:
0x13: {  	p0 =	sne.s32 s22, $0xFFC0  }
0x14: {  	[tilespmem:s24+$0x14000] =	vst v0;
	s23 =	sadd.s32 $0x10, s23;
	s24 =	smov.u32 s22;
	s22 =	sadd.s32 $0x40, s22  }
.Ltmp0:
0x15: {  	(pc) =	sbr.rel @p0 .LBB2_2-.Ltmp0, $4  }
0x16: {  	_ = 	snop  }
0x17: {  	s24 =	sand.u32 $0xFE00, s24  }
0x18: {  	s25 =	sand.u32 $0x70, s23;
	s24 =	sshrl.u32 s24, $0x2  }
0x19: {  	s24 =	sor.u32 s25, s24  }
0x1a: {  	[tilespmem:s24+$0x14000] =	vst v0  }
0x1b: {  	[spmem:s5] =	stream.linear.scatter [tilespmem:s14], [sflag:$0x2], $0x4000, $0x38;
	[tilespmem:$0x18100] =	vst v63  }
0x1c: {  	_ =	swait.ge [sflag:s15], $0x4000  }
0x1d: {  	[sflag:s15] =	ssyncset.done $0x0  }
0x1e: {  	[sflag:s15] =	ssyncadd.s32 $0xFFFFC000  }
0x1f: {  	[spmem:s6] =	stream.linear.scatter [tilespmem:s14], [sflag:$0x2], $0x4000, $0x38;
	[tilespmem:$0x18100] =	vst v63  }
0x20: {  	_ =	swait.ge [sflag:s15], $0x4000  }
0x21: {  	[sflag:s15] =	ssyncset.done $0x0  }
0x22: {  	[sflag:s15] =	ssyncadd.s32 $0xFFFFC000  }
0x23: {  	[spmem:s7] =	stream.linear.scatter [tilespmem:s14], [sflag:$0x2], $0x4000, $0x38;
	[tilespmem:$0x18100] =	vst v63  }
0x24: {  	_ =	swait.ge [sflag:s15], $0x4000  }
0x25: {  	[sflag:s15] =	ssyncset.done $0x0  }
0x26: {  	[sflag:s15] =	ssyncadd.s32 $0xFFFFC000  }
0x27: {  	[spmem:s8] =	stream.linear.scatter [tilespmem:s14], [sflag:$0x2], $0x4000, $0x38;
	[tilespmem:$0x18100] =	vst v63  }
0x28: {  	_ =	swait.ge [sflag:s15], $0x4000  }
0x29: {  	[sflag:s15] =	ssyncset.done $0x0  }
0x2a: {  	[sflag:s15] =	ssyncadd.s32 $0xFFFFC000  }
0x2b: {  	[spmem:s9] =	stream.linear.scatter [tilespmem:s14], [sflag:$0x2], $0x4000, $0x38;
	[tilespmem:$0x18100] =	vst v63  }
0x2c: {  	_ =	swait.ge [sflag:s15], $0x4000  }
0x2d: {  	[sflag:s15] =	ssyncset.done $0x0  }
0x2e: {  	[sflag:s15] =	ssyncadd.s32 $0xFFFFC000  }
0x2f: {  	s22 =	sadd.s32 $0x0, s13;
	[bflag:$0x0] =	sbarrier.arrive $0xFFFF  }
0x30: {  	[tilespmem:s16], [sflag:$0x2] =	stream.linear.gather [hbm4b:s22+s4], $0x80, $0x38;
	[tilespmem:$0x18100] =	vst v63  }
0x31: {  	_ =	swait.ge [sflag:s15], $0x80  }
0x32: {  	[sflag:s15] =	ssyncset.done $0x0  }
0x33: {  	s31 =	sadd.s32 $0x0, s12;
	[sflag:s15] =	ssyncadd.s32 $0xFFFFFF80  }
0x34: {  	[tilespmem:s17], [sflag:$0x2] =	stream.linear.gather [hbm4b:s31+s4], $0x80, $0x38;
	[tilespmem:$0x18100] =	vst v63  }
0x35: {  	_ =	swait.ge [sflag:s15], $0x80  }
0x36: {  	[sflag:s15] =	ssyncset.done $0x0  }
0x37: {  	[sflag:s15] =	ssyncadd.s32 $0xFFFFFF80  }
0x38: {  	[tilespmem:s14], [sflag:$0x1] =	stream.indirect.gather [hbm4b:s0+s18], $0x80, s16, s18, $0xb8;
	[tilespmem:$0x18100] =	vst v63  }
0x39: {  	_ =	swait.ge [sflag:s19], $0x4000  }
0x3a: {  	[sflag:s19] =	ssyncset.done $0x0  }
0x3b: {  	[sflag:s19] =	ssyncadd.s32 $0xFFFFC000  }
0x3c: {  	[spmem:s3] =	stream.indirect.scatter.add.f32 [tilespmem:s14], [sflag:$0x2], $0x80, s17, s18, $0xb8;
	[tilespmem:$0x18100] =	vst v63  }
0x3d: {  	_ =	swait.ge [sflag:s15], $0x4000  }
0x3e: {  	s23 =	simm.s32 $0x20;
	s22 =	simm.s32 $0x10;
	[sflag:s15] =	ssyncset.done $0x0  }
.LBB2_4:
0x3f: {  	s24 =	sadd.s32 s22, s13  }
0x40: {  	[sflag:s15] =	ssyncadd.s32 $0xFFFFC000;
	s25 =	smov.u32 s23;
	s26 =	sadd.s32 $0x10, s23  }
0x41: {  	[tilespmem:s16], [sflag:$0x2] =	stream.linear.gather [hbm4b:s24+s4], $0x80, $0x38;
	[tilespmem:$0x18100] =	vst v63  }
0x42: {  	p0 =	sne.s32 s23, $0x4E0;
	_ =	swait.ge [sflag:s15], $0x80  }
0x43: {  	[sflag:s15] =	ssyncset.done $0x0  }
0x44: {  	s23 =	sadd.s32 s22, s12;
	s22 =	smov.u32 s25;
	[sflag:s15] =	ssyncadd.s32 $0xFFFFFF80  }
0x45: {  	[tilespmem:s17], [sflag:$0x2] =	stream.linear.gather [hbm4b:s23+s4], $0x80, $0x38;
	[tilespmem:$0x18100] =	vst v63  }
0x46: {  	_ =	swait.ge [sflag:s15], $0x80  }
0x47: {  	[sflag:s15] =	ssyncset.done $0x0  }
0x48: {  	[sflag:s15] =	ssyncadd.s32 $0xFFFFFF80  }
0x49: {  	[tilespmem:s14], [sflag:$0x1] =	stream.indirect.gather [hbm4b:s0+s18], $0x80, s16, s18, $0xb8;
	[tilespmem:$0x18100] =	vst v63  }
0x4a: {  	_ =	swait.ge [sflag:s19], $0x4000  }
.Ltmp1:
0x4b: {  	[sflag:s19] =	ssyncset.done $0x0;
	(pc) =	sbr.rel @p0 .LBB2_4-.Ltmp1, $4  }
0x4c: {  	[sflag:s19] =	ssyncadd.s32 $0xFFFFC000  }
0x4d: {  	[spmem:s3] =	stream.indirect.scatter.add.f32 [tilespmem:s14], [sflag:$0x2], $0x80, s17, s18, $0xb8;
	[tilespmem:$0x18100] =	vst v63  }
0x4e: {  	_ =	swait.ge [sflag:s15], $0x4000  }
0x4f: {  	s23 =	smov.u32 s26;
	[sflag:s15] =	ssyncset.done $0x0  }
0x50: {  	s23 =	sadd.s32 s22, s13;
	[sflag:s15] =	ssyncadd.s32 $0xFFFFC000  }
0x51: {  	[tilespmem:s16], [sflag:$0x2] =	stream.linear.gather [hbm4b:s23+s4], $0x80, $0x38;
	[tilespmem:$0x18100] =	vst v63  }
0x52: {  	_ =	swait.ge [sflag:s15], $0x80  }
0x53: {  	[sflag:s15] =	ssyncset.done $0x0  }
0x54: {  	s30 =	sadd.s32 s22, s12;
	[sflag:s15] =	ssyncadd.s32 $0xFFFFFF80  }
0x55: {  	[tilespmem:s17], [sflag:$0x2] =	stream.linear.gather [hbm4b:s30+s4], $0x80, $0x38;
	[tilespmem:$0x18100] =	vst v63  }
0x56: {  	_ =	swait.ge [sflag:s15], $0x80  }
0x57: {  	[sflag:s15] =	ssyncset.done $0x0  }
0x58: {  	[sflag:s15] =	ssyncadd.s32 $0xFFFFFF80  }
0x59: {  	[tilespmem:s14], [sflag:$0x1] =	stream.indirect.gather [hbm4b:s0+s18], $0x80, s16, s18, $0xb8;
	[tilespmem:$0x18100] =	vst v63  }
0x5a: {  	_ =	swait.ge [sflag:s19], $0x4000  }
0x5b: {  	[sflag:s19] =	ssyncset.done $0x0  }
0x5c: {  	[sflag:s19] =	ssyncadd.s32 $0xFFFFC000  }
0x5d: {  	[spmem:s3] =	stream.indirect.scatter.add.f32 [tilespmem:s14], [sflag:$0x2], $0x80, s17, s18, $0xb8;
	[tilespmem:$0x18100] =	vst v63  }
0x5e: {  	_ =	swait.ge [sflag:s15], $0x4000  }
0x5f: {  	s21 =	sadd.s32 $0x1, s21;
	[sflag:s15] =	ssyncset.done $0x0  }
0x60: {  	p0 =	sne.s32 s21, s11;
	[sflag:s15] =	ssyncadd.s32 $0xFFFFC000  }
.Ltmp2:
0x61: {  	s31 =	sshrl.u32 s5, $0x3;
	[bflag:$0x0] =	sbarrier.arrive $0xFFFF;
	(pc) =	sbr.rel @p0 .LBB2_1-.Ltmp2, $4  }
0x62: {  	[hbm:s10], [sflag:s20] =	dma.local [spmem:s31], $0x2800  }
0x63: {  	_ =	swait.ge [sflag:s15], $0x2800  }
0x64: {  	[sflag:s15] =	ssyncset.done $0x0  }
0x65: {  	[sflag:s15] =	ssyncadd.s32 $0xFFFFD800  }
0x66: {  	_ =	sfence.sel $0x180000  }
0x67: {  	[bflag:$0x0] =	sbarrier.arrive $0xFFFF  }
0x68: {  	p0 =	sne.s32 s2, $0x0;
	_ =	strace $0x9000004A  }
0x69: {  	s0 =	sadd.s32 @!p0 $0x100000, s1;
	[bflag:$0x2] =	sbarrier.arrive $0xFFFF  }
0x6a: {  	[sflag:s0] =	ssyncadd.tile.s32 @!p0 $0x1;
	_ =	shalt  }
.Lfunc_end2:
_tile_overlayer_lowered:
.L_overlay_start_2:
0x6b: {  	(tag) =	ssettag $0x2  }
0x6c: {  	s0 =	rddreg [dreg:$0x0];
	s2 =	stileid.u32  }
0x6d: {  	s1 =	rddreg [dreg:$0x1];
	p0 =	sne.s32 s2, $0x0  }
0x6e: {  	s3 =	rddreg [dreg:$0x2];
	[bflag:$0x3] =	sbarrier.arrive $0xFFFF;
	s2 =	simm.s32 @!p0 $0x1C02  }
0x6f: {  	[timem:s3], [sflag:s2] =	dma.local @!p0 [hbm:s0], s1  }
0x70: {  	s0 =	simm.s32 @!p0 $0x2  }
0x71: {  	_ =	swait.ge @!p0 [sflag:s0], s1  }
0x72: {  	s1 =	ssub.s32 @!p0 $0x0, s1;
	[sflag:s0] =	ssyncset.done @!p0 $0x0  }
0x73: {  	[sflag:s0] =	ssyncadd.s32 @!p0 s1  }
0x74: {  	[bflag:$0x3] =	sbarrier.arrive $0xFFFF  }
0x75: {  	_ =	shalt  }

// kernel: kernel.14.cloned.1.call-start
scs
__scs_entry_jumppad:
0x0: {  	(pc) =	sbr.rel $0x88, $3  }
0x1: {  	(tag) =	ssettag $0x0;
	lr =	simm.s32 $0x1  }
0x2: {  	[smem:$0x3F9B] =	sst lr;
	_ =	strace $0xD0000000  }
0x3: {  	_ = 	snop  }
0x4: {  	_ = 	snop  }
0x5: {  	_ = 	snop  }
0x6: {  	_ = 	snop  }
0x7: {  	_ = 	snop  }
__scs_overlays_trampoline_lowered:
0x8: {  	[smem:$0x3FAA] =	sst s0  }
0x9: {  	[smem:$0x3FAB] =	sst s1  }
0xa: {  	[smem:$0x3FAC] =	sst s2  }
0xb: {  	[smem:$0x3FAD] =	sst s3  }
0xc: {  	[smem:$0x3FAE] =	sst s4  }
0xd: {  	[smem:$0x3FAF] =	sst s5  }
0xe: {  	[smem:$0x3FB0] =	sst s6  }
0xf: {  	[smem:$0x3FB1] =	sst s7  }
0x10: {  	[smem:$0x3FB2] =	sst s8  }
0x11: {  	[smem:$0x3FB3] =	sst s9;
	s0 =	simm.s32 @!p0 $0x0  }
0x12: {  	s1 =	sld [smem:$0x3F99];
	s0 =	simm.s32 @p0 $0x1  }
0x13: {  	[smem:$0x3FB4] =	sst s0;
	s0 =	simm.s32 @!p1 $0x0  }
0x14: {  	s2 =	sld [smem:$0x3F98];
	s0 =	simm.s32 @p1 $0x1  }
0x15: {  	[smem:$0x3FB5] =	sst s0;
	s0 =	simm.s32 @!p2 $0x0  }
0x16: {  	s3 =	sld [smem:$0x3FDB];
	s0 =	simm.s32 @p2 $0x1  }
0x17: {  	s4 =	simm.s32 $0x1BF5;
	[smem:$0x3FB7] =	sst s0  }
0x18: {  	s0 =	sld [smem:$0x3F9A];
	_ =	swait.ge [sflag:s4], $0x0  }
0x19: {  	s7 =	sld [smem:$0x3F9B]  }
0x1a: {  	s8 =	sadd.s32 $0xFFFFE003, lr  }
0x1b: {  	s9 =	sadd.s32 $0xFFFFFEF7, lr;
	s5 =	simm.s32 $0xFFFFFFFF;
	p2 =	slt.u32 s8, $0xFFFFF086  }
0x1c: {  	p1 =	slt.u32 s9, $0xF7A;
	s5 =	simm.s32 @!p2 $0x0  }
0x1d: {  	s5 =	simm.s32 @p1 $0x1;
	p0 =	seq.s32 s7, s2  }
0x1e: {  	s7 =	smul.u32 @!p0 $0xF7A, s2;
	p2 =	seq.s32 @!p0 s5, $0x0  }
0x1f: {  	s9 =	smul.u32 $0xF7A, s1;
	s8 =	simm.s32 @!p0 $0x1BF5;
	p2 =	por !p2, p0  }
0x20: {  	[sflag:s8] =	ssyncset.s32 @!p0 $0xFFFFF086;
	s6 =	sadd.s32 @!p0 s3, s7;
	s7 =	simm.s32 @!p0 $0x108  }
0x21: {  	s3 =	sadd.s32 s3, s9;
	s6 =	sadd.s32 @!p0 $0x88, s6;
	s7 =	simm.s32 @p2 $0x1082  }
0x22: {  	[simem:s7], [sflag:s8] =	dma.local @!p0 [hbm:s6], $0xF7A  }
0x23: {  	s9 =	sor.u32 $0xD0000000, s2;
	s6 =	simm.s32 $0x108;
	_ =	swait.ge @!p0 [sflag:s8], $0x0  }
0x24: {  	s3 =	sadd.s32 $0x88, s3;
	s6 =	simm.s32 @!p1 $0x1082;
	[sflag:s4] =	ssyncset.s32 $0xFFFFF086  }
0x25: {  	[simem:s6], [sflag:s4] =	dma.local [hbm:s3], $0xF7A  }
0x26: {  	[smem:$0x3F9B] =	sst s1;
	(tag) =	ssettag s2;
	_ =	strace s9  }
0x27: {  	s1 =	sld [smem:$0x3FAB]  }
0x28: {  	s2 =	sld [smem:$0x3FAC]  }
0x29: {  	s4 =	sld [smem:$0x3FAE]  }
0x2a: {  	p0 =	seq.s32 s5, $0x0;
	s5 =	sld [smem:$0x3FAF]  }
0x2b: {  	s6 =	sld [smem:$0x3FB0]  }
0x2c: {  	s7 =	sld [smem:$0x3FB1]  }
0x2d: {  	s3 =	simm.s32 $0x108;
	s8 =	sld [smem:$0x3FB2]  }
0x2e: {  	s3 =	simm.s32 @!p0 $0x1082;
	s9 =	sld [smem:$0x3FB3]  }
0x2f: {  	lr =	sadd.s32 s0, s3;
	s0 =	sld [smem:$0x3FAA]  }
0x30: {  	s3 =	sld [smem:$0x3FAD]  }
0x31: {  	[smem:$0x3FB6] =	sst s10  }
0x32: {  	s10 =	sld [smem:$0x3FB4];
	_ =	sdelay $0x3  }
0x33: {  	p0 =	seq.s32 s10, $0x1;
	s10 =	sld [smem:$0x3FB6];
	_ =	sdelay $0x3  }
0x34: {  	[smem:$0x3FB6] =	sst s10  }
0x35: {  	s10 =	sld [smem:$0x3FB5];
	_ =	sdelay $0x3  }
0x36: {  	p1 =	seq.s32 s10, $0x1;
	s10 =	sld [smem:$0x3FB6];
	_ =	sdelay $0x3  }
0x37: {  	[smem:$0x3FB6] =	sst s10  }
0x38: {  	s10 =	sld [smem:$0x3FB7]  }
0x39: {  	_ = 	snop;
	(pc) =	sbr.ind lr, $3  }
0x3a: {  	_ = 	snop  }
0x3b: {  	_ = 	snop  }
0x3c: {  	p2 =	seq.s32 s10, $0x1;
	s10 =	sld [smem:$0x3FB6]  }
0x3d: {  	_ =	shalt  }
0x3e: {  	_ =	shalt  }
0x3f: {  	_ =	shalt  }
0x40: {  	_ =	shalt  }
0x41: {  	_ =	shalt  }
0x42: {  	_ =	shalt  }
0x43: {  	_ =	shalt  }
0x44: {  	_ =	shalt  }
0x45: {  	_ =	shalt  }
0x46: {  	_ =	shalt  }
0x47: {  	_ =	shalt  }
0x48: {  	_ =	shalt  }
0x49: {  	_ =	shalt  }
0x4a: {  	_ =	shalt  }
0x4b: {  	_ =	shalt  }
0x4c: {  	_ =	shalt  }
0x4d: {  	_ =	shalt  }
0x4e: {  	_ =	shalt  }
0x4f: {  	_ =	shalt  }
0x50: {  	_ =	shalt  }
0x51: {  	_ =	shalt  }
0x52: {  	_ =	shalt  }
0x53: {  	_ =	shalt  }
0x54: {  	_ =	shalt  }
0x55: {  	_ =	shalt  }
0x56: {  	_ =	shalt  }
0x57: {  	_ =	shalt  }
0x58: {  	_ =	shalt  }
0x59: {  	_ =	shalt  }
0x5a: {  	_ =	shalt  }
0x5b: {  	_ =	shalt  }
0x5c: {  	_ =	shalt  }
0x5d: {  	_ =	shalt  }
0x5e: {  	_ =	shalt  }
0x5f: {  	_ =	shalt  }
0x60: {  	_ =	shalt  }
0x61: {  	_ =	shalt  }
0x62: {  	_ =	shalt  }
0x63: {  	_ =	shalt  }
0x64: {  	_ =	shalt  }
0x65: {  	_ =	shalt  }
0x66: {  	_ =	shalt  }
0x67: {  	_ =	shalt  }
0x68: {  	_ =	shalt  }
0x69: {  	_ =	shalt  }
0x6a: {  	_ =	shalt  }
0x6b: {  	_ =	shalt  }
0x6c: {  	_ =	shalt  }
0x6d: {  	_ =	shalt  }
0x6e: {  	_ =	shalt  }
0x6f: {  	_ =	shalt  }
0x70: {  	_ =	shalt  }
0x71: {  	_ =	shalt  }
0x72: {  	_ =	shalt  }
0x73: {  	_ =	shalt  }
0x74: {  	_ =	shalt  }
0x75: {  	_ =	shalt  }
0x76: {  	_ =	shalt  }
0x77: {  	_ =	shalt  }
0x78: {  	_ =	shalt  }
0x79: {  	_ =	shalt  }
0x7a: {  	_ =	shalt  }
0x7b: {  	_ =	shalt  }
0x7c: {  	_ =	shalt  }
0x7d: {  	_ =	shalt  }
0x7e: {  	_ =	shalt  }
0x7f: {  	_ =	shalt  }
0x80: {  	_ =	shalt  }
0x81: {  	_ =	shalt  }
0x82: {  	_ =	shalt  }
0x83: {  	_ =	shalt  }
0x84: {  	_ =	shalt  }
0x85: {  	_ =	shalt  }
0x86: {  	_ =	shalt  }
0x87: {  	_ =	shalt  }
.Lfunc_end0:
.L_simem_size_0:
called_computation.2_lowered:
.L_overlay_start_0:
0x88: {  	s2 =	sld [smem:$0x3FD9]  }
0x89: {  	s3 =	sld [smem:$0x3FFE];
	_ =	sdelay $0x1  }
0x8a: {  	s1 =	srdreg.scid  }
0x8b: {  	s0 =	sand.u32 $0x1, s1  }
0x8c: {  	s14 =	sshll.u32 s0, $0xA;
	s2 =	sadd.s32 s3, s2  }
0x8d: {  	s2 =	sadd.s32 s2, s14  }
0x8e: {  	[smem:$0x3FC2] =	sst s2  }
0x8f: {  	_ = 	snop  }
0x90: {  	s2 =	sld [smem:$0x3FD0];
	_ =	sdelay $0x2  }
0x91: {  	s15 =	simm.s32 $0xA;
	s4 =	simm.s32 $0x10  }
0x92: {  	[smem:s4], [sflag:s15] =	dma.local [hbm:s2], $0x1  }
0x93: {  	_ =	swait.eq [sflag:s15], $0x1  }
0x94: {  	[sflag:s15] =	ssyncset.done $0x0  }
0x95: {  	[sflag:s15] =	ssyncadd.s32 $0xFFFFFFFF  }
0x96: {  	s16 =	sld [smem:$0x11];
	(tm) =	ssettm $0x1  }
0x97: {  	s17 =	sld [smem:$0x3FFB];
	_ =	sdelay $0x3  }
0x98: {  	_ =	strace s17  }
0x99: {  	s3 =	sld [smem:$0x3FFC];
	_ =	sdelay $0x3  }
0x9a: {  	_ =	strace s3  }
0x9b: {  	s3 =	sld [smem:$0x3FFD];
	_ =	sdelay $0x3  }
0x9c: {  	_ =	strace s3  }
0x9d: {  	_ =	strace $0x8FFFFFFF  }
0x9e: {  	s18 =	sld [smem:$0x3FDB];
	_ =	sdelay $0x1  }
0x9f: {  	s19 =	simm.s32 $_scs_section_size  }
0xa0: {  	s5 =	simm.s32 $_size__tile_overlayer_lowered;
	s6 =	simm.s32 $_tile_overlayer_lowered  }
0xa1: {  	s22 =	simm.s32 $0x1BFF;
	s21 =	sshll.u32 s6, $0x1;
	s3 =	sadd.s32 s19, s18  }
0xa2: {  	s7 =	simm.s32 $0x0;
	s20 =	sshll.u32 s5, $0x1;
	s5 =	sadd.s32 s21, s3  }
0xa3: {  	[timem:s7], [sflag:s22] =	dma.local [hbm:s5], s20  }
0xa4: {  	_ =	swait.ge [sflag:s22], s20  }
0xa5: {  	s4 =	ssub.s32 $0x0, s20;
	[sflag:s22] =	ssyncset.done $0x0  }
0xa6: {  	[sflag:s22] =	ssyncadd.s32 s4;
	_ =	sdelay $0x1  }
0xa7: {  	s23 =	simm.s32 $0x1B8B  }
0xa8: {  	_ =	swait.ge [sflag:s23], $0x1  }
0xa9: {  	[sflag:s23] =	ssyncset.done $0x0  }
0xaa: {  	s25 =	simm.s32 $0x1B8E;
	s24 =	sld [smem:$0x3FFE];
	[sflag:s23] =	ssyncadd.s32 $0xFFFFFFFF  }
0xab: {  	s26 =	simm.s32 $execute0_lowered;
	[smem:$0x3FD2] =	sst s25  }
0xac: {  	s5 =	sshll.u32 s26, $0x1;
	_ =	strace $0x8000004C;
	[dreg:$0x1] =	wrdreg $0xFFFFFFFF  }
0xad: {  	s28 =	simm.s32 $_size_execute0_lowered;
	s3 =	sadd.s32 s3, s5;
	[dreg:$0x0] =	wrdreg $0x0  }
0xae: {  	s5 =	sshll.u32 s28, $0x1;
	[dreg:$0x2] =	wrdreg s3  }
0xaf: {  	[dreg:$0x3] =	wrdreg s5  }
0xb0: {  	[dreg:$0x4] =	wrdreg $0xC0  }
0xb1: {  	_ =	task [dreg:s7], $0x5FFFF  }
0xb2: {  	[dreg:$0x1] =	wrdreg $0xFFFFFFFF  }
0xb3: {  	[dreg:$0x0] =	wrdreg $0x60  }
0xb4: {  	[dreg:$0x2] =	wrdreg s16  }
0xb5: {  	[dreg:$0x3] =	wrdreg s24  }
0xb6: {  	[dreg:$0x4] =	wrdreg $0x0  }
0xb7: {  	[dreg:$0x5] =	wrdreg $0x9  }
0xb8: {  	_ =	task.clear_ibuf [dreg:s7], $0x6FFFF;
	_ =	strace $0x9000004C  }
0xb9: {  	s29 =	simm.s32 $0x9;
	_ =	strace $0x8000004E  }
0xba: {  	_ =	swait.ge [sflag:s29], $0x1  }
0xbb: {  	[sflag:s29] =	ssyncadd.s32 $0xFFFFFFFF  }
0xbc: {  	_ =	strace $0x9000004E  }
0xbd: {  	_ =	sfence  }
0xbe: {  	s30 =	sld [smem:$0x0];
	_ =	sdelay $0x2  }
0xbf: {  	s31 =	sshll.u32 s1, $0xD;
	s1 =	sshrl.u32 s1, $0x2  }
0xc0: {  	s3 =	sand.u32 $0x4000, s31;
	s1 =	sadd.s32 s1, s30  }
0xc1: {  	s0 =	sor.u32 s3, s0;
	s1 =	sshll.u32 s1, $0x11  }
0xc2: {  	s0 =	sor.u32 s1, s0  }
0xc3: {  	s0 =	sadd.s32 $0x8F2B, s0  }
0xc4: {  	[sflag:s0] =	ssyncadd.remote.s32 $0x1  }
0xc5: {  	_ =	sfence.sel $0xFFFF  }
0xc6: {  	[dreg:$0x0] =	wrdreg $0xFFFFFFFF;
	(pc) =	sbr.abs _section_cstart, $3  }
0xc7: {  	[dreg:$0x1] =	wrdreg $0xFFFFFFFF  }
0xc8: {  	_ =	task.clear_ibuf [dreg:s7], $0x2FFFF;
	_ =	strace $0x9FFFFFFF  }
0xc9: {  	(tm) =	ssettm $0x7FFFFFFF  }
tec
execute0_lowered:
.L_overlay_start_1:
0x0: {  	(tag) =	ssettag $0x1  }
0x1: {  	s0 =	rddreg [dreg:$0x0]  }
0x2: {  	s5 =	rddreg [dreg:$0x1];
	s1 =	srdreg.scid  }
0x3: {  	s3 =	rddreg [dreg:$0x2];
	s2 =	stileid.u32  }
0x4: {  	s4 =	simm.s32 $0x0;
	s15 =	simm.s32 $0x2;
	s16 =	simm.s32 $0x18000  }
0x5: {  	s17 =	simm.s32 $0x18080;
	s18 =	simm.s32 $0x80;
	s8 =	smul.u32 $0x2800, s2  }
0x6: {  	s19 =	simm.s32 $0x1;
	s21 =	simm.s32 $0x0;
	s10 =	smul.u32 $0x50000, s2  }
0x7: {  	s6 =	sand.u32 $0x1, s1;
	s1 =	rddreg [dreg:$0x3];
	s14 =	smul.u32 $0x4F0, s2  }
0x8: {  	[smem:$0x7FF] =	sst s4;
	s20 =	sshll.u32 s2, $0x6;
	s7 =	smul.u32 $0x4F00, s6  }
0x9: {  	s9 =	smul.u32 $0x28000, s6;
	_ =	strace $0x8000004D;
	s6 =	ssub.s32 $0x2, s6  }
0xa: {  	s20 =	sor.u32 $0x1C02, s20;
	s30 =	sshrl.u32 s6, $0x1;
	s31 =	sshrl.u32 s10, $0x2  }
0xb: {  	s11 =	sadd.s32 s7, s5;
	s29 =	sadd.s32 s8, s9;
	s13 =	ssub.s32 s6, s30  }
0xc: {  	s12 =	sadd.s32 s29, s5;
	s5 =	sadd.s32 s31, s3;
	s14 =	sadd.s32 s14, s11  }
0xd: {  	s11 =	smax.u32 s13, $0x1;
	s6 =	sadd.s32 $0x4000, s5;
	s7 =	sadd.s32 $0x8000, s5  }
0xe: {  	s8 =	sadd.s32 $0xC000, s5;
	s9 =	sadd.s32 $0x10000, s5;
	s10 =	sadd.s32 $0x65600, s12  }
0xf: {  	v0 =	vimm.f32 $0.0e+00;
	s12 =	sadd.s32 $0x3600, s14;
	s13 =	sadd.s32 $0xD400, s14;
	s14 =	simm.s32 $0x14000  }
.LBB2_1:
0x10: {  	s22 =	sand.u32 $0xFE00, s4  }
0x11: {  	s23 =	sand.u32 $0x70, s4;
	s24 =	sshrl.u32 s22, $0x2  }
0x12: {  	s22 =	simm.s32 $0x40;
	s24 =	sor.u32 s23, s24;
	s23 =	simm.s32 $0x0  }
.LBB2_2:
0x13: {  	p0 =	sne.s32 s22, $0xFFC0  }
0x14: {  	[tilespmem:s24+$0x14000] =	vst v0;
	s23 =	sadd.s32 $0x10, s23;
	s24 =	smov.u32 s22;
	s22 =	sadd.s32 $0x40, s22  }
.Ltmp0:
0x15: {  	(pc) =	sbr.rel @p0 .LBB2_2-.Ltmp0, $4  }
0x16: {  	_ = 	snop  }
0x17: {  	s24 =	sand.u32 $0xFE00, s24  }
0x18: {  	s25 =	sand.u32 $0x70, s23;
	s24 =	sshrl.u32 s24, $0x2  }
0x19: {  	s24 =	sor.u32 s25, s24  }
0x1a: {  	[tilespmem:s24+$0x14000] =	vst v0  }
0x1b: {  	[spmem:s5] =	stream.linear.scatter [tilespmem:s14], [sflag:$0x2], $0x4000, $0x38;
	[tilespmem:$0x18100] =	vst v63  }
0x1c: {  	_ =	swait.ge [sflag:s15], $0x4000  }
0x1d: {  	[sflag:s15] =	ssyncset.done $0x0  }
0x1e: {  	[sflag:s15] =	ssyncadd.s32 $0xFFFFC000  }
0x1f: {  	[spmem:s6] =	stream.linear.scatter [tilespmem:s14], [sflag:$0x2], $0x4000, $0x38;
	[tilespmem:$0x18100] =	vst v63  }
0x20: {  	_ =	swait.ge [sflag:s15], $0x4000  }
0x21: {  	[sflag:s15] =	ssyncset.done $0x0  }
0x22: {  	[sflag:s15] =	ssyncadd.s32 $0xFFFFC000  }
0x23: {  	[spmem:s7] =	stream.linear.scatter [tilespmem:s14], [sflag:$0x2], $0x4000, $0x38;
	[tilespmem:$0x18100] =	vst v63  }
0x24: {  	_ =	swait.ge [sflag:s15], $0x4000  }
0x25: {  	[sflag:s15] =	ssyncset.done $0x0  }
0x26: {  	[sflag:s15] =	ssyncadd.s32 $0xFFFFC000  }
0x27: {  	[spmem:s8] =	stream.linear.scatter [tilespmem:s14], [sflag:$0x2], $0x4000, $0x38;
	[tilespmem:$0x18100] =	vst v63  }
0x28: {  	_ =	swait.ge [sflag:s15], $0x4000  }
0x29: {  	[sflag:s15] =	ssyncset.done $0x0  }
0x2a: {  	[sflag:s15] =	ssyncadd.s32 $0xFFFFC000  }
0x2b: {  	[spmem:s9] =	stream.linear.scatter [tilespmem:s14], [sflag:$0x2], $0x4000, $0x38;
	[tilespmem:$0x18100] =	vst v63  }
0x2c: {  	_ =	swait.ge [sflag:s15], $0x4000  }
0x2d: {  	[sflag:s15] =	ssyncset.done $0x0  }
0x2e: {  	[sflag:s15] =	ssyncadd.s32 $0xFFFFC000  }
0x2f: {  	s22 =	sadd.s32 $0x0, s13;
	[bflag:$0x0] =	sbarrier.arrive $0xFFFF  }
0x30: {  	[tilespmem:s16], [sflag:$0x2] =	stream.linear.gather [hbm4b:s22+s4], $0x80, $0x38;
	[tilespmem:$0x18100] =	vst v63  }
0x31: {  	_ =	swait.ge [sflag:s15], $0x80  }
0x32: {  	[sflag:s15] =	ssyncset.done $0x0  }
0x33: {  	s31 =	sadd.s32 $0x0, s12;
	[sflag:s15] =	ssyncadd.s32 $0xFFFFFF80  }
0x34: {  	[tilespmem:s17], [sflag:$0x2] =	stream.linear.gather [hbm4b:s31+s4], $0x80, $0x38;
	[tilespmem:$0x18100] =	vst v63  }
0x35: {  	_ =	swait.ge [sflag:s15], $0x80  }
0x36: {  	[sflag:s15] =	ssyncset.done $0x0  }
0x37: {  	[sflag:s15] =	ssyncadd.s32 $0xFFFFFF80  }
0x38: {  	[tilespmem:s14], [sflag:$0x1] =	stream.indirect.gather [hbm4b:s0+s18], $0x80, s16, s18, $0xb8;
	[tilespmem:$0x18100] =	vst v63  }
0x39: {  	_ =	swait.ge [sflag:s19], $0x4000  }
0x3a: {  	[sflag:s19] =	ssyncset.done $0x0  }
0x3b: {  	[sflag:s19] =	ssyncadd.s32 $0xFFFFC000  }
0x3c: {  	[spmem:s3] =	stream.indirect.scatter.add.f32 [tilespmem:s14], [sflag:$0x2], $0x80, s17, s18, $0xb8;
	[tilespmem:$0x18100] =	vst v63  }
0x3d: {  	_ =	swait.ge [sflag:s15], $0x4000  }
0x3e: {  	s23 =	simm.s32 $0x20;
	s22 =	simm.s32 $0x10;
	[sflag:s15] =	ssyncset.done $0x0  }
.LBB2_4:
0x3f: {  	s24 =	sadd.s32 s22, s13  }
0x40: {  	[sflag:s15] =	ssyncadd.s32 $0xFFFFC000;
	s25 =	smov.u32 s23;
	s26 =	sadd.s32 $0x10, s23  }
0x41: {  	[tilespmem:s16], [sflag:$0x2] =	stream.linear.gather [hbm4b:s24+s4], $0x80, $0x38;
	[tilespmem:$0x18100] =	vst v63  }
0x42: {  	p0 =	sne.s32 s23, $0x4E0;
	_ =	swait.ge [sflag:s15], $0x80  }
0x43: {  	[sflag:s15] =	ssyncset.done $0x0  }
0x44: {  	s23 =	sadd.s32 s22, s12;
	s22 =	smov.u32 s25;
	[sflag:s15] =	ssyncadd.s32 $0xFFFFFF80  }
0x45: {  	[tilespmem:s17], [sflag:$0x2] =	stream.linear.gather [hbm4b:s23+s4], $0x80, $0x38;
	[tilespmem:$0x18100] =	vst v63  }
0x46: {  	_ =	swait.ge [sflag:s15], $0x80  }
0x47: {  	[sflag:s15] =	ssyncset.done $0x0  }
0x48: {  	[sflag:s15] =	ssyncadd.s32 $0xFFFFFF80  }
0x49: {  	[tilespmem:s14], [sflag:$0x1] =	stream.indirect.gather [hbm4b:s0+s18], $0x80, s16, s18, $0xb8;
	[tilespmem:$0x18100] =	vst v63  }
0x4a: {  	_ =	swait.ge [sflag:s19], $0x4000  }
.Ltmp1:
0x4b: {  	[sflag:s19] =	ssyncset.done $0x0;
	(pc) =	sbr.rel @p0 .LBB2_4-.Ltmp1, $4  }
0x4c: {  	[sflag:s19] =	ssyncadd.s32 $0xFFFFC000  }
0x4d: {  	[spmem:s3] =	stream.indirect.scatter.add.f32 [tilespmem:s14], [sflag:$0x2], $0x80, s17, s18, $0xb8;
	[tilespmem:$0x18100] =	vst v63  }
0x4e: {  	_ =	swait.ge [sflag:s15], $0x4000  }
0x4f: {  	s23 =	smov.u32 s26;
	[sflag:s15] =	ssyncset.done $0x0  }
0x50: {  	s23 =	sadd.s32 s22, s13;
	[sflag:s15] =	ssyncadd.s32 $0xFFFFC000  }
0x51: {  	[tilespmem:s16], [sflag:$0x2] =	stream.linear.gather [hbm4b:s23+s4], $0x80, $0x38;
	[tilespmem:$0x18100] =	vst v63  }
0x52: {  	_ =	swait.ge [sflag:s15], $0x80  }
0x53: {  	[sflag:s15] =	ssyncset.done $0x0  }
0x54: {  	s30 =	sadd.s32 s22, s12;
	[sflag:s15] =	ssyncadd.s32 $0xFFFFFF80  }
0x55: {  	[tilespmem:s17], [sflag:$0x2] =	stream.linear.gather [hbm4b:s30+s4], $0x80, $0x38;
	[tilespmem:$0x18100] =	vst v63  }
0x56: {  	_ =	swait.ge [sflag:s15], $0x80  }
0x57: {  	[sflag:s15] =	ssyncset.done $0x0  }
0x58: {  	[sflag:s15] =	ssyncadd.s32 $0xFFFFFF80  }
0x59: {  	[tilespmem:s14], [sflag:$0x1] =	stream.indirect.gather [hbm4b:s0+s18], $0x80, s16, s18, $0xb8;
	[tilespmem:$0x18100] =	vst v63  }
0x5a: {  	_ =	swait.ge [sflag:s19], $0x4000  }
0x5b: {  	[sflag:s19] =	ssyncset.done $0x0  }
0x5c: {  	[sflag:s19] =	ssyncadd.s32 $0xFFFFC000  }
0x5d: {  	[spmem:s3] =	stream.indirect.scatter.add.f32 [tilespmem:s14], [sflag:$0x2], $0x80, s17, s18, $0xb8;
	[tilespmem:$0x18100] =	vst v63  }
0x5e: {  	_ =	swait.ge [sflag:s15], $0x4000  }
0x5f: {  	s21 =	sadd.s32 $0x1, s21;
	[sflag:s15] =	ssyncset.done $0x0  }
0x60: {  	p0 =	sne.s32 s21, s11;
	[sflag:s15] =	ssyncadd.s32 $0xFFFFC000  }
.Ltmp2:
0x61: {  	s31 =	sshrl.u32 s5, $0x3;
	[bflag:$0x0] =	sbarrier.arrive $0xFFFF;
	(pc) =	sbr.rel @p0 .LBB2_1-.Ltmp2, $4  }
0x62: {  	[hbm:s10], [sflag:s20] =	dma.local [spmem:s31], $0x2800  }
0x63: {  	_ =	swait.ge [sflag:s15], $0x2800  }
0x64: {  	[sflag:s15] =	ssyncset.done $0x0  }
0x65: {  	[sflag:s15] =	ssyncadd.s32 $0xFFFFD800  }
0x66: {  	_ =	sfence.sel $0x180000  }
0x67: {  	[bflag:$0x0] =	sbarrier.arrive $0xFFFF  }
0x68: {  	p0 =	sne.s32 s2, $0x0;
	_ =	strace $0x9000004D  }
0x69: {  	s0 =	sadd.s32 @!p0 $0x100000, s1;
	[bflag:$0x2] =	sbarrier.arrive $0xFFFF  }
0x6a: {  	[sflag:s0] =	ssyncadd.tile.s32 @!p0 $0x1;
	_ =	shalt  }
.Lfunc_end2:
_tile_overlayer_lowered:
.L_overlay_start_2:
0x6b: {  	(tag) =	ssettag $0x2  }
0x6c: {  	s0 =	rddreg [dreg:$0x0];
	s2 =	stileid.u32  }
0x6d: {  	s1 =	rddreg [dreg:$0x1];
	p0 =	sne.s32 s2, $0x0  }
0x6e: {  	s3 =	rddreg [dreg:$0x2];
	[bflag:$0x3] =	sbarrier.arrive $0xFFFF;
	s2 =	simm.s32 @!p0 $0x1C02  }
0x6f: {  	[timem:s3], [sflag:s2] =	dma.local @!p0 [hbm:s0], s1  }
0x70: {  	s0 =	simm.s32 @!p0 $0x2  }
0x71: {  	_ =	swait.ge @!p0 [sflag:s0], s1  }
0x72: {  	s1 =	ssub.s32 @!p0 $0x0, s1;
	[sflag:s0] =	ssyncset.done @!p0 $0x0  }
0x73: {  	[sflag:s0] =	ssyncadd.s32 @!p0 s1  }
0x74: {  	[bflag:$0x3] =	sbarrier.arrive $0xFFFF  }
0x75: {  	_ =	shalt  }

// kernel: kernel.8.cloned.1.call-start
scs
__scs_entry_jumppad:
0x0: {  	(pc) =	sbr.rel $0x88, $3  }
0x1: {  	(tag) =	ssettag $0x0;
	lr =	simm.s32 $0x1  }
0x2: {  	[smem:$0x3F9B] =	sst lr;
	_ =	strace $0xD0000000  }
0x3: {  	_ = 	snop  }
0x4: {  	_ = 	snop  }
0x5: {  	_ = 	snop  }
0x6: {  	_ = 	snop  }
0x7: {  	_ = 	snop  }
__scs_overlays_trampoline_lowered:
0x8: {  	[smem:$0x3FAA] =	sst s0  }
0x9: {  	[smem:$0x3FAB] =	sst s1  }
0xa: {  	[smem:$0x3FAC] =	sst s2  }
0xb: {  	[smem:$0x3FAD] =	sst s3  }
0xc: {  	[smem:$0x3FAE] =	sst s4  }
0xd: {  	[smem:$0x3FAF] =	sst s5  }
0xe: {  	[smem:$0x3FB0] =	sst s6  }
0xf: {  	[smem:$0x3FB1] =	sst s7  }
0x10: {  	[smem:$0x3FB2] =	sst s8  }
0x11: {  	[smem:$0x3FB3] =	sst s9;
	s0 =	simm.s32 @!p0 $0x0  }
0x12: {  	s1 =	sld [smem:$0x3F99];
	s0 =	simm.s32 @p0 $0x1  }
0x13: {  	[smem:$0x3FB4] =	sst s0;
	s0 =	simm.s32 @!p1 $0x0  }
0x14: {  	s2 =	sld [smem:$0x3F98];
	s0 =	simm.s32 @p1 $0x1  }
0x15: {  	[smem:$0x3FB5] =	sst s0;
	s0 =	simm.s32 @!p2 $0x0  }
0x16: {  	s3 =	sld [smem:$0x3FDB];
	s0 =	simm.s32 @p2 $0x1  }
0x17: {  	s4 =	simm.s32 $0x1BF5;
	[smem:$0x3FB7] =	sst s0  }
0x18: {  	s0 =	sld [smem:$0x3F9A];
	_ =	swait.ge [sflag:s4], $0x0  }
0x19: {  	s7 =	sld [smem:$0x3F9B]  }
0x1a: {  	s8 =	sadd.s32 $0xFFFFE003, lr  }
0x1b: {  	s9 =	sadd.s32 $0xFFFFFEF7, lr;
	s5 =	simm.s32 $0xFFFFFFFF;
	p2 =	slt.u32 s8, $0xFFFFF086  }
0x1c: {  	p1 =	slt.u32 s9, $0xF7A;
	s5 =	simm.s32 @!p2 $0x0  }
0x1d: {  	s5 =	simm.s32 @p1 $0x1;
	p0 =	seq.s32 s7, s2  }
0x1e: {  	s7 =	smul.u32 @!p0 $0xF7A, s2;
	p2 =	seq.s32 @!p0 s5, $0x0  }
0x1f: {  	s9 =	smul.u32 $0xF7A, s1;
	s8 =	simm.s32 @!p0 $0x1BF5;
	p2 =	por !p2, p0  }
0x20: {  	[sflag:s8] =	ssyncset.s32 @!p0 $0xFFFFF086;
	s6 =	sadd.s32 @!p0 s3, s7;
	s7 =	simm.s32 @!p0 $0x108  }
0x21: {  	s3 =	sadd.s32 s3, s9;
	s6 =	sadd.s32 @!p0 $0x88, s6;
	s7 =	simm.s32 @p2 $0x1082  }
0x22: {  	[simem:s7], [sflag:s8] =	dma.local @!p0 [hbm:s6], $0xF7A  }
0x23: {  	s9 =	sor.u32 $0xD0000000, s2;
	s6 =	simm.s32 $0x108;
	_ =	swait.ge @!p0 [sflag:s8], $0x0  }
0x24: {  	s3 =	sadd.s32 $0x88, s3;
	s6 =	simm.s32 @!p1 $0x1082;
	[sflag:s4] =	ssyncset.s32 $0xFFFFF086  }
0x25: {  	[simem:s6], [sflag:s4] =	dma.local [hbm:s3], $0xF7A  }
0x26: {  	[smem:$0x3F9B] =	sst s1;
	(tag) =	ssettag s2;
	_ =	strace s9  }
0x27: {  	s1 =	sld [smem:$0x3FAB]  }
0x28: {  	s2 =	sld [smem:$0x3FAC]  }
0x29: {  	s4 =	sld [smem:$0x3FAE]  }
0x2a: {  	p0 =	seq.s32 s5, $0x0;
	s5 =	sld [smem:$0x3FAF]  }
0x2b: {  	s6 =	sld [smem:$0x3FB0]  }
0x2c: {  	s7 =	sld [smem:$0x3FB1]  }
0x2d: {  	s3 =	simm.s32 $0x108;
	s8 =	sld [smem:$0x3FB2]  }
0x2e: {  	s3 =	simm.s32 @!p0 $0x1082;
	s9 =	sld [smem:$0x3FB3]  }
0x2f: {  	lr =	sadd.s32 s0, s3;
	s0 =	sld [smem:$0x3FAA]  }
0x30: {  	s3 =	sld [smem:$0x3FAD]  }
0x31: {  	[smem:$0x3FB6] =	sst s10  }
0x32: {  	s10 =	sld [smem:$0x3FB4];
	_ =	sdelay $0x3  }
0x33: {  	p0 =	seq.s32 s10, $0x1;
	s10 =	sld [smem:$0x3FB6];
	_ =	sdelay $0x3  }
0x34: {  	[smem:$0x3FB6] =	sst s10  }
0x35: {  	s10 =	sld [smem:$0x3FB5];
	_ =	sdelay $0x3  }
0x36: {  	p1 =	seq.s32 s10, $0x1;
	s10 =	sld [smem:$0x3FB6];
	_ =	sdelay $0x3  }
0x37: {  	[smem:$0x3FB6] =	sst s10  }
0x38: {  	s10 =	sld [smem:$0x3FB7]  }
0x39: {  	_ = 	snop;
	(pc) =	sbr.ind lr, $3  }
0x3a: {  	_ = 	snop  }
0x3b: {  	_ = 	snop  }
0x3c: {  	p2 =	seq.s32 s10, $0x1;
	s10 =	sld [smem:$0x3FB6]  }
0x3d: {  	_ =	shalt  }
0x3e: {  	_ =	shalt  }
0x3f: {  	_ =	shalt  }
0x40: {  	_ =	shalt  }
0x41: {  	_ =	shalt  }
0x42: {  	_ =	shalt  }
0x43: {  	_ =	shalt  }
0x44: {  	_ =	shalt  }
0x45: {  	_ =	shalt  }
0x46: {  	_ =	shalt  }
0x47: {  	_ =	shalt  }
0x48: {  	_ =	shalt  }
0x49: {  	_ =	shalt  }
0x4a: {  	_ =	shalt  }
0x4b: {  	_ =	shalt  }
0x4c: {  	_ =	shalt  }
0x4d: {  	_ =	shalt  }
0x4e: {  	_ =	shalt  }
0x4f: {  	_ =	shalt  }
0x50: {  	_ =	shalt  }
0x51: {  	_ =	shalt  }
0x52: {  	_ =	shalt  }
0x53: {  	_ =	shalt  }
0x54: {  	_ =	shalt  }
0x55: {  	_ =	shalt  }
0x56: {  	_ =	shalt  }
0x57: {  	_ =	shalt  }
0x58: {  	_ =	shalt  }
0x59: {  	_ =	shalt  }
0x5a: {  	_ =	shalt  }
0x5b: {  	_ =	shalt  }
0x5c: {  	_ =	shalt  }
0x5d: {  	_ =	shalt  }
0x5e: {  	_ =	shalt  }
0x5f: {  	_ =	shalt  }
0x60: {  	_ =	shalt  }
0x61: {  	_ =	shalt  }
0x62: {  	_ =	shalt  }
0x63: {  	_ =	shalt  }
0x64: {  	_ =	shalt  }
0x65: {  	_ =	shalt  }
0x66: {  	_ =	shalt  }
0x67: {  	_ =	shalt  }
0x68: {  	_ =	shalt  }
0x69: {  	_ =	shalt  }
0x6a: {  	_ =	shalt  }
0x6b: {  	_ =	shalt  }
0x6c: {  	_ =	shalt  }
0x6d: {  	_ =	shalt  }
0x6e: {  	_ =	shalt  }
0x6f: {  	_ =	shalt  }
0x70: {  	_ =	shalt  }
0x71: {  	_ =	shalt  }
0x72: {  	_ =	shalt  }
0x73: {  	_ =	shalt  }
0x74: {  	_ =	shalt  }
0x75: {  	_ =	shalt  }
0x76: {  	_ =	shalt  }
0x77: {  	_ =	shalt  }
0x78: {  	_ =	shalt  }
0x79: {  	_ =	shalt  }
0x7a: {  	_ =	shalt  }
0x7b: {  	_ =	shalt  }
0x7c: {  	_ =	shalt  }
0x7d: {  	_ =	shalt  }
0x7e: {  	_ =	shalt  }
0x7f: {  	_ =	shalt  }
0x80: {  	_ =	shalt  }
0x81: {  	_ =	shalt  }
0x82: {  	_ =	shalt  }
0x83: {  	_ =	shalt  }
0x84: {  	_ =	shalt  }
0x85: {  	_ =	shalt  }
0x86: {  	_ =	shalt  }
0x87: {  	_ =	shalt  }
.Lfunc_end0:
.L_simem_size_0:
called_computation_lowered:
.L_overlay_start_0:
0x88: {  	s2 =	sld [smem:$0x3FD9]  }
0x89: {  	s3 =	sld [smem:$0x3FFE];
	_ =	sdelay $0x1  }
0x8a: {  	s1 =	srdreg.scid  }
0x8b: {  	s0 =	sand.u32 $0x1, s1  }
0x8c: {  	s14 =	sshll.u32 s0, $0xA;
	s2 =	sadd.s32 s3, s2  }
0x8d: {  	s2 =	sadd.s32 s2, s14  }
0x8e: {  	[smem:$0x3FC2] =	sst s2  }
0x8f: {  	_ = 	snop  }
0x90: {  	s2 =	sld [smem:$0x3FD0];
	_ =	sdelay $0x2  }
0x91: {  	s15 =	simm.s32 $0xA;
	s4 =	simm.s32 $0x10  }
0x92: {  	[smem:s4], [sflag:s15] =	dma.local [hbm:s2], $0x1  }
0x93: {  	_ =	swait.eq [sflag:s15], $0x1  }
0x94: {  	[sflag:s15] =	ssyncset.done $0x0  }
0x95: {  	[sflag:s15] =	ssyncadd.s32 $0xFFFFFFFF  }
0x96: {  	s16 =	sld [smem:$0x11];
	(tm) =	ssettm $0x1  }
0x97: {  	s17 =	sld [smem:$0x3FFB];
	_ =	sdelay $0x3  }
0x98: {  	_ =	strace s17  }
0x99: {  	s3 =	sld [smem:$0x3FFC];
	_ =	sdelay $0x3  }
0x9a: {  	_ =	strace s3  }
0x9b: {  	s3 =	sld [smem:$0x3FFD];
	_ =	sdelay $0x3  }
0x9c: {  	_ =	strace s3  }
0x9d: {  	_ =	strace $0x8FFFFFFF  }
0x9e: {  	s18 =	sld [smem:$0x3FDB];
	_ =	sdelay $0x1  }
0x9f: {  	s19 =	simm.s32 $_scs_section_size  }
0xa0: {  	s5 =	simm.s32 $_size__tile_overlayer_lowered;
	s6 =	simm.s32 $_tile_overlayer_lowered  }
0xa1: {  	s22 =	simm.s32 $0x1BFF;
	s21 =	sshll.u32 s6, $0x1;
	s3 =	sadd.s32 s19, s18  }
0xa2: {  	s7 =	simm.s32 $0x0;
	s20 =	sshll.u32 s5, $0x1;
	s5 =	sadd.s32 s21, s3  }
0xa3: {  	[timem:s7], [sflag:s22] =	dma.local [hbm:s5], s20  }
0xa4: {  	_ =	swait.ge [sflag:s22], s20  }
0xa5: {  	s4 =	ssub.s32 $0x0, s20;
	[sflag:s22] =	ssyncset.done $0x0  }
0xa6: {  	[sflag:s22] =	ssyncadd.s32 s4;
	_ =	sdelay $0x1  }
0xa7: {  	s23 =	simm.s32 $0x1B8B  }
0xa8: {  	_ =	swait.ge [sflag:s23], $0x1  }
0xa9: {  	[sflag:s23] =	ssyncset.done $0x0  }
0xaa: {  	s25 =	simm.s32 $0x1B8E;
	s24 =	sld [smem:$0x3FFE];
	[sflag:s23] =	ssyncadd.s32 $0xFFFFFFFF  }
0xab: {  	s26 =	simm.s32 $execute0_lowered;
	[smem:$0x3FD2] =	sst s25  }
0xac: {  	s5 =	sshll.u32 s26, $0x1;
	_ =	strace $0x80000046;
	[dreg:$0x1] =	wrdreg $0xFFFFFFFF  }
0xad: {  	s28 =	simm.s32 $_size_execute0_lowered;
	s3 =	sadd.s32 s3, s5;
	[dreg:$0x0] =	wrdreg $0x0  }
0xae: {  	s5 =	sshll.u32 s28, $0x1;
	[dreg:$0x2] =	wrdreg s3  }
0xaf: {  	[dreg:$0x3] =	wrdreg s5  }
0xb0: {  	[dreg:$0x4] =	wrdreg $0xC0  }
0xb1: {  	_ =	task [dreg:s7], $0x5FFFF  }
0xb2: {  	[dreg:$0x1] =	wrdreg $0xFFFFFFFF  }
0xb3: {  	[dreg:$0x0] =	wrdreg $0x60  }
0xb4: {  	[dreg:$0x2] =	wrdreg s16  }
0xb5: {  	[dreg:$0x3] =	wrdreg s24  }
0xb6: {  	[dreg:$0x4] =	wrdreg $0x0  }
0xb7: {  	[dreg:$0x5] =	wrdreg $0x9  }
0xb8: {  	_ =	task.clear_ibuf [dreg:s7], $0x6FFFF;
	_ =	strace $0x90000046  }
0xb9: {  	s29 =	simm.s32 $0x9;
	_ =	strace $0x80000048  }
0xba: {  	_ =	swait.ge [sflag:s29], $0x1  }
0xbb: {  	[sflag:s29] =	ssyncadd.s32 $0xFFFFFFFF  }
0xbc: {  	_ =	strace $0x90000048  }
0xbd: {  	_ =	sfence  }
0xbe: {  	s30 =	sld [smem:$0x0];
	_ =	sdelay $0x2  }
0xbf: {  	s31 =	sshll.u32 s1, $0xD;
	s1 =	sshrl.u32 s1, $0x2  }
0xc0: {  	s3 =	sand.u32 $0x4000, s31;
	s1 =	sadd.s32 s1, s30  }
0xc1: {  	s0 =	sor.u32 s3, s0;
	s1 =	sshll.u32 s1, $0x11  }
0xc2: {  	s0 =	sor.u32 s1, s0  }
0xc3: {  	s0 =	sadd.s32 $0x8F2B, s0  }
0xc4: {  	[sflag:s0] =	ssyncadd.remote.s32 $0x1  }
0xc5: {  	_ =	sfence.sel $0xFFFF  }
0xc6: {  	[dreg:$0x0] =	wrdreg $0xFFFFFFFF;
	(pc) =	sbr.abs _section_cstart, $3  }
0xc7: {  	[dreg:$0x1] =	wrdreg $0xFFFFFFFF  }
0xc8: {  	_ =	task.clear_ibuf [dreg:s7], $0x2FFFF;
	_ =	strace $0x9FFFFFFF  }
0xc9: {  	(tm) =	ssettm $0x7FFFFFFF  }
tec
execute0_lowered:
.L_overlay_start_1:
0x0: {  	(tag) =	ssettag $0x1  }
0x1: {  	s0 =	rddreg [dreg:$0x0]  }
0x2: {  	s5 =	rddreg [dreg:$0x1];
	s1 =	srdreg.scid  }
0x3: {  	s3 =	rddreg [dreg:$0x2];
	s2 =	stileid.u32  }
0x4: {  	s4 =	simm.s32 $0x0;
	s15 =	simm.s32 $0x2;
	s16 =	simm.s32 $0x18000  }
0x5: {  	s17 =	simm.s32 $0x18080;
	s18 =	simm.s32 $0x80;
	s8 =	smul.u32 $0x2800, s2  }
0x6: {  	s19 =	simm.s32 $0x1;
	s21 =	simm.s32 $0x0;
	s10 =	smul.u32 $0x50000, s2  }
0x7: {  	s6 =	sand.u32 $0x1, s1;
	s1 =	rddreg [dreg:$0x3];
	s14 =	smul.u32 $0x4F0, s2  }
0x8: {  	[smem:$0x7FF] =	sst s4;
	s20 =	sshll.u32 s2, $0x6;
	s7 =	smul.u32 $0x4F00, s6  }
0x9: {  	s9 =	smul.u32 $0x28000, s6;
	_ =	strace $0x80000047;
	s6 =	ssub.s32 $0x2, s6  }
0xa: {  	s20 =	sor.u32 $0x1C02, s20;
	s30 =	sshrl.u32 s6, $0x1;
	s31 =	sshrl.u32 s10, $0x2  }
0xb: {  	s11 =	sadd.s32 s7, s5;
	s29 =	sadd.s32 s8, s9;
	s13 =	ssub.s32 s6, s30  }
0xc: {  	s12 =	sadd.s32 s29, s5;
	s5 =	sadd.s32 s31, s3;
	s14 =	sadd.s32 s14, s11  }
0xd: {  	s11 =	smax.u32 s13, $0x1;
	s6 =	sadd.s32 $0x4000, s5;
	s7 =	sadd.s32 $0x8000, s5  }
0xe: {  	s8 =	sadd.s32 $0xC000, s5;
	s9 =	sadd.s32 $0x10000, s5;
	s10 =	sadd.s32 $0x17200, s12  }
0xf: {  	v0 =	vimm.f32 $0.0e+00;
	s12 =	sadd.s32 $0x3600, s14;
	s13 =	sadd.s32 $0xD400, s14;
	s14 =	simm.s32 $0x14000  }
.LBB2_1:
0x10: {  	s22 =	sand.u32 $0xFE00, s4  }
0x11: {  	s23 =	sand.u32 $0x70, s4;
	s24 =	sshrl.u32 s22, $0x2  }
0x12: {  	s22 =	simm.s32 $0x40;
	s24 =	sor.u32 s23, s24;
	s23 =	simm.s32 $0x0  }
.LBB2_2:
0x13: {  	p0 =	sne.s32 s22, $0xFFC0  }
0x14: {  	[tilespmem:s24+$0x14000] =	vst v0;
	s23 =	sadd.s32 $0x10, s23;
	s24 =	smov.u32 s22;
	s22 =	sadd.s32 $0x40, s22  }
.Ltmp0:
0x15: {  	(pc) =	sbr.rel @p0 .LBB2_2-.Ltmp0, $4  }
0x16: {  	_ = 	snop  }
0x17: {  	s24 =	sand.u32 $0xFE00, s24  }
0x18: {  	s25 =	sand.u32 $0x70, s23;
	s24 =	sshrl.u32 s24, $0x2  }
0x19: {  	s24 =	sor.u32 s25, s24  }
0x1a: {  	[tilespmem:s24+$0x14000] =	vst v0  }
0x1b: {  	[spmem:s5] =	stream.linear.scatter [tilespmem:s14], [sflag:$0x2], $0x4000, $0x38;
	[tilespmem:$0x18100] =	vst v63  }
0x1c: {  	_ =	swait.ge [sflag:s15], $0x4000  }
0x1d: {  	[sflag:s15] =	ssyncset.done $0x0  }
0x1e: {  	[sflag:s15] =	ssyncadd.s32 $0xFFFFC000  }
0x1f: {  	[spmem:s6] =	stream.linear.scatter [tilespmem:s14], [sflag:$0x2], $0x4000, $0x38;
	[tilespmem:$0x18100] =	vst v63  }
0x20: {  	_ =	swait.ge [sflag:s15], $0x4000  }
0x21: {  	[sflag:s15] =	ssyncset.done $0x0  }
0x22: {  	[sflag:s15] =	ssyncadd.s32 $0xFFFFC000  }
0x23: {  	[spmem:s7] =	stream.linear.scatter [tilespmem:s14], [sflag:$0x2], $0x4000, $0x38;
	[tilespmem:$0x18100] =	vst v63  }
0x24: {  	_ =	swait.ge [sflag:s15], $0x4000  }
0x25: {  	[sflag:s15] =	ssyncset.done $0x0  }
0x26: {  	[sflag:s15] =	ssyncadd.s32 $0xFFFFC000  }
0x27: {  	[spmem:s8] =	stream.linear.scatter [tilespmem:s14], [sflag:$0x2], $0x4000, $0x38;
	[tilespmem:$0x18100] =	vst v63  }
0x28: {  	_ =	swait.ge [sflag:s15], $0x4000  }
0x29: {  	[sflag:s15] =	ssyncset.done $0x0  }
0x2a: {  	[sflag:s15] =	ssyncadd.s32 $0xFFFFC000  }
0x2b: {  	[spmem:s9] =	stream.linear.scatter [tilespmem:s14], [sflag:$0x2], $0x4000, $0x38;
	[tilespmem:$0x18100] =	vst v63  }
0x2c: {  	_ =	swait.ge [sflag:s15], $0x4000  }
0x2d: {  	[sflag:s15] =	ssyncset.done $0x0  }
0x2e: {  	[sflag:s15] =	ssyncadd.s32 $0xFFFFC000  }
0x2f: {  	s22 =	sadd.s32 $0x0, s13;
	[bflag:$0x0] =	sbarrier.arrive $0xFFFF  }
0x30: {  	[tilespmem:s16], [sflag:$0x2] =	stream.linear.gather [hbm4b:s22+s4], $0x80, $0x38;
	[tilespmem:$0x18100] =	vst v63  }
0x31: {  	_ =	swait.ge [sflag:s15], $0x80  }
0x32: {  	[sflag:s15] =	ssyncset.done $0x0  }
0x33: {  	s31 =	sadd.s32 $0x0, s12;
	[sflag:s15] =	ssyncadd.s32 $0xFFFFFF80  }
0x34: {  	[tilespmem:s17], [sflag:$0x2] =	stream.linear.gather [hbm4b:s31+s4], $0x80, $0x38;
	[tilespmem:$0x18100] =	vst v63  }
0x35: {  	_ =	swait.ge [sflag:s15], $0x80  }
0x36: {  	[sflag:s15] =	ssyncset.done $0x0  }
0x37: {  	[sflag:s15] =	ssyncadd.s32 $0xFFFFFF80  }
0x38: {  	[tilespmem:s14], [sflag:$0x1] =	stream.indirect.gather [hbm4b:s0+s18], $0x80, s16, s18, $0xb8;
	[tilespmem:$0x18100] =	vst v63  }
0x39: {  	_ =	swait.ge [sflag:s19], $0x4000  }
0x3a: {  	[sflag:s19] =	ssyncset.done $0x0  }
0x3b: {  	[sflag:s19] =	ssyncadd.s32 $0xFFFFC000  }
0x3c: {  	[spmem:s3] =	stream.indirect.scatter.add.f32 [tilespmem:s14], [sflag:$0x2], $0x80, s17, s18, $0xb8;
	[tilespmem:$0x18100] =	vst v63  }
0x3d: {  	_ =	swait.ge [sflag:s15], $0x4000  }
0x3e: {  	s23 =	simm.s32 $0x20;
	s22 =	simm.s32 $0x10;
	[sflag:s15] =	ssyncset.done $0x0  }
.LBB2_4:
0x3f: {  	s24 =	sadd.s32 s22, s13  }
0x40: {  	[sflag:s15] =	ssyncadd.s32 $0xFFFFC000;
	s25 =	smov.u32 s23;
	s26 =	sadd.s32 $0x10, s23  }
0x41: {  	[tilespmem:s16], [sflag:$0x2] =	stream.linear.gather [hbm4b:s24+s4], $0x80, $0x38;
	[tilespmem:$0x18100] =	vst v63  }
0x42: {  	p0 =	sne.s32 s23, $0x4E0;
	_ =	swait.ge [sflag:s15], $0x80  }
0x43: {  	[sflag:s15] =	ssyncset.done $0x0  }
0x44: {  	s23 =	sadd.s32 s22, s12;
	s22 =	smov.u32 s25;
	[sflag:s15] =	ssyncadd.s32 $0xFFFFFF80  }
0x45: {  	[tilespmem:s17], [sflag:$0x2] =	stream.linear.gather [hbm4b:s23+s4], $0x80, $0x38;
	[tilespmem:$0x18100] =	vst v63  }
0x46: {  	_ =	swait.ge [sflag:s15], $0x80  }
0x47: {  	[sflag:s15] =	ssyncset.done $0x0  }
0x48: {  	[sflag:s15] =	ssyncadd.s32 $0xFFFFFF80  }
0x49: {  	[tilespmem:s14], [sflag:$0x1] =	stream.indirect.gather [hbm4b:s0+s18], $0x80, s16, s18, $0xb8;
	[tilespmem:$0x18100] =	vst v63  }
0x4a: {  	_ =	swait.ge [sflag:s19], $0x4000  }
.Ltmp1:
0x4b: {  	[sflag:s19] =	ssyncset.done $0x0;
	(pc) =	sbr.rel @p0 .LBB2_4-.Ltmp1, $4  }
0x4c: {  	[sflag:s19] =	ssyncadd.s32 $0xFFFFC000  }
0x4d: {  	[spmem:s3] =	stream.indirect.scatter.add.f32 [tilespmem:s14], [sflag:$0x2], $0x80, s17, s18, $0xb8;
	[tilespmem:$0x18100] =	vst v63  }
0x4e: {  	_ =	swait.ge [sflag:s15], $0x4000  }
0x4f: {  	s23 =	smov.u32 s26;
	[sflag:s15] =	ssyncset.done $0x0  }
0x50: {  	s23 =	sadd.s32 s22, s13;
	[sflag:s15] =	ssyncadd.s32 $0xFFFFC000  }
0x51: {  	[tilespmem:s16], [sflag:$0x2] =	stream.linear.gather [hbm4b:s23+s4], $0x80, $0x38;
	[tilespmem:$0x18100] =	vst v63  }
0x52: {  	_ =	swait.ge [sflag:s15], $0x80  }
0x53: {  	[sflag:s15] =	ssyncset.done $0x0  }
0x54: {  	s30 =	sadd.s32 s22, s12;
	[sflag:s15] =	ssyncadd.s32 $0xFFFFFF80  }
0x55: {  	[tilespmem:s17], [sflag:$0x2] =	stream.linear.gather [hbm4b:s30+s4], $0x80, $0x38;
	[tilespmem:$0x18100] =	vst v63  }
0x56: {  	_ =	swait.ge [sflag:s15], $0x80  }
0x57: {  	[sflag:s15] =	ssyncset.done $0x0  }
0x58: {  	[sflag:s15] =	ssyncadd.s32 $0xFFFFFF80  }
0x59: {  	[tilespmem:s14], [sflag:$0x1] =	stream.indirect.gather [hbm4b:s0+s18], $0x80, s16, s18, $0xb8;
	[tilespmem:$0x18100] =	vst v63  }
0x5a: {  	_ =	swait.ge [sflag:s19], $0x4000  }
0x5b: {  	[sflag:s19] =	ssyncset.done $0x0  }
0x5c: {  	[sflag:s19] =	ssyncadd.s32 $0xFFFFC000  }
0x5d: {  	[spmem:s3] =	stream.indirect.scatter.add.f32 [tilespmem:s14], [sflag:$0x2], $0x80, s17, s18, $0xb8;
	[tilespmem:$0x18100] =	vst v63  }
0x5e: {  	_ =	swait.ge [sflag:s15], $0x4000  }
0x5f: {  	s21 =	sadd.s32 $0x1, s21;
	[sflag:s15] =	ssyncset.done $0x0  }
0x60: {  	p0 =	sne.s32 s21, s11;
	[sflag:s15] =	ssyncadd.s32 $0xFFFFC000  }
.Ltmp2:
0x61: {  	s31 =	sshrl.u32 s5, $0x3;
	[bflag:$0x0] =	sbarrier.arrive $0xFFFF;
	(pc) =	sbr.rel @p0 .LBB2_1-.Ltmp2, $4  }
0x62: {  	[hbm:s10], [sflag:s20] =	dma.local [spmem:s31], $0x2800  }
0x63: {  	_ =	swait.ge [sflag:s15], $0x2800  }
0x64: {  	[sflag:s15] =	ssyncset.done $0x0  }
0x65: {  	[sflag:s15] =	ssyncadd.s32 $0xFFFFD800  }
0x66: {  	_ =	sfence.sel $0x180000  }
0x67: {  	[bflag:$0x0] =	sbarrier.arrive $0xFFFF  }
0x68: {  	p0 =	sne.s32 s2, $0x0;
	_ =	strace $0x90000047  }
0x69: {  	s0 =	sadd.s32 @!p0 $0x100000, s1;
	[bflag:$0x2] =	sbarrier.arrive $0xFFFF  }
0x6a: {  	[sflag:s0] =	ssyncadd.tile.s32 @!p0 $0x1;
	_ =	shalt  }
.Lfunc_end2:
_tile_overlayer_lowered:
.L_overlay_start_2:
0x6b: {  	(tag) =	ssettag $0x2  }
0x6c: {  	s0 =	rddreg [dreg:$0x0];
	s2 =	stileid.u32  }
0x6d: {  	s1 =	rddreg [dreg:$0x1];
	p0 =	sne.s32 s2, $0x0  }
0x6e: {  	s3 =	rddreg [dreg:$0x2];
	[bflag:$0x3] =	sbarrier.arrive $0xFFFF;
	s2 =	simm.s32 @!p0 $0x1C02  }
0x6f: {  	[timem:s3], [sflag:s2] =	dma.local @!p0 [hbm:s0], s1  }
0x70: {  	s0 =	simm.s32 @!p0 $0x2  }
0x71: {  	_ =	swait.ge @!p0 [sflag:s0], s1  }
0x72: {  	s1 =	ssub.s32 @!p0 $0x0, s1;
	[sflag:s0] =	ssyncset.done @!p0 $0x0  }
0x73: {  	[sflag:s0] =	ssyncadd.s32 @!p0 s1  }
0x74: {  	[bflag:$0x3] =	sbarrier.arrive $0xFFFF  }
0x75: {  	_ =	shalt  }

</sc_bundles>
